<compile_context>
chip_gen: v7x
topology: tpu7x:2x2x1
jax: 0.10.2.dev20260603
libtpu: 0.0.44.dev20260713+nightly
codegen_flags: <defaults>
</compile_context>

<pallas_src>
import functools

import jax
import jax.numpy as jnp
from jax import lax
from jax.experimental import pallas as pl
from jax.experimental.pallas import tpu as pltpu
from jax.experimental.pallas import tpu_sc as plsc

N_SPECIES = 5
N_CODONS = 64
B = 4096
L = 2048
LW = L // 4

_info = plsc.get_sparse_core_info()
NC, NS, LANES = _info.num_cores, _info.num_subcores, _info.num_lanes
NW = NC * NS
RPW = B // NW
NCHUNK = 4
CROWS = RPW // NCHUNK
SUBG = CROWS // LANES


def _cai_sc(pk_hbm, sid_hbm, tbl_hbm, out_hbm,
            b0, b1, b2, b3, tbl_v, sid_v, out_v, sum_v, cnt_v,
            s0, s1, s2, s3):
    wid = lax.axis_index("s") * NC + lax.axis_index("c")
    base_row = wid * RPW

    pltpu.sync_copy(tbl_hbm, tbl_v)
    pltpu.sync_copy(sid_hbm.at[pl.ds(base_row, RPW)], sid_v)

    bufs = (b0, b1, b2, b3)
    sems = (s0, s1, s2, s3)
    copies = []
    for c in range(NCHUNK):
        cp = pltpu.make_async_copy(
            pk_hbm.at[pl.ds(base_row + c * CROWS, CROWS)], bufs[c], sems[c])
        cp.start()
        copies.append(cp)

    row16 = lax.iota(jnp.int32, LANES)

    for c in range(NCHUNK):
        copies[c].wait()

    m15 = row16 == (LANES - 1)

    for c in range(NCHUNK):
        def row_body(r, _):
            row = c * CROWS + r
            rowv = jnp.full((LANES,), row, jnp.int32)
            sbv = plsc.load_gather(sid_v, [rowv]) * 128

            def body(i, carry):
                acc, cacc = carry
                w = bufs[c][r, pl.ds(i * LANES, LANES)]
                cacc = cacc + ((w >> 6) & 0x01010101)
                for j in range(4):
                    t = (w >> (8 * j)) if j else w
                    acc = acc + plsc.load_gather(tbl_v, [(t & 0x7F) + sbv])
                return acc, cacc

            acc, cacc = lax.fori_loop(
                0, LW // LANES, body,
                (jnp.zeros((LANES,), jnp.float32),
                 jnp.zeros((LANES,), jnp.int32)))

            plsc.store_scatter(sum_v, [rowv], plsc.cumsum(acc), mask=m15)
            cbytes = ((cacc & 0xFF) + ((cacc >> 8) & 0xFF)
                      + ((cacc >> 16) & 0xFF) + (cacc >> 24))
            plsc.store_scatter(cnt_v, [rowv], plsc.cumsum(cbytes), mask=m15)
            return 0

        lax.fori_loop(0, CROWS, row_body, 0)

    for g in range(RPW // LANES):
        s = sum_v[pl.ds(g * LANES, LANES)]
        n = cnt_v[pl.ds(g * LANES, LANES)]
        out_v[pl.ds(g * LANES, LANES)] = jnp.exp(
            s / jnp.maximum(n.astype(jnp.float32), 1.0))

    pltpu.sync_copy(out_v, out_hbm.at[pl.ds(base_row, RPW)])


@jax.jit
def kernel(codon_ids, species_ids, mask, weight_matrix):
    logw = jnp.log(jnp.maximum(weight_matrix, 1e-8))
    tbl = jnp.concatenate(
        [jnp.zeros((N_SPECIES, N_CODONS), jnp.float32), logw], axis=1)

    def byte(j):
        cj = codon_ids[:, j * LW:(j + 1) * LW]
        mj = mask[:, j * LW:(j + 1) * LW].astype(jnp.int32)
        return (cj | (mj << 6)) << (8 * j)

    packed_words = byte(0) | byte(1) | byte(2) | byte(3)

    mesh = plsc.VectorSubcoreMesh(core_axis_name="c", subcore_axis_name="s")
    run = pl.kernel(
        _cai_sc,
        mesh=mesh,
        compiler_params=pltpu.CompilerParams(needs_layout_passes=False),
        out_type=jax.ShapeDtypeStruct((B,), jnp.float32),
        scratch_types=[
            pltpu.VMEM((CROWS, LW), jnp.int32),
            pltpu.VMEM((CROWS, LW), jnp.int32),
            pltpu.VMEM((CROWS, LW), jnp.int32),
            pltpu.VMEM((CROWS, LW), jnp.int32),
            pltpu.VMEM((N_SPECIES * 128,), jnp.float32),
            pltpu.VMEM((RPW,), jnp.int32),
            pltpu.VMEM((RPW,), jnp.float32),
            pltpu.VMEM((RPW,), jnp.float32),
            pltpu.VMEM((RPW,), jnp.int32),
            pltpu.SemaphoreType.DMA,
            pltpu.SemaphoreType.DMA,
            pltpu.SemaphoreType.DMA,
            pltpu.SemaphoreType.DMA,
        ],
    )
    return run(packed_words, species_ids, tbl.reshape(-1))

# --- scband reference (transcript-rebuilt; emitter-appended) ---
"""Pipeline reference for scband-caicalculator-12206297055790 (READ-ONLY COPY).

The authoritative reference and input builder live on the scoring server;
editing this copy changes nothing except your own understanding.
"""

import jax, jax.numpy as jnp
import numpy as np

N_SPECIES = 5
N_CODONS = 64
B = 4096
L = 2048

def setup_inputs(seed: int = 0) -> dict:
    key = jax.random.key(seed)
    k1, k2, k3, k4 = jax.random.split(key, 4)
    codon_ids = jax.random.randint(k1, (B, L), 0, N_CODONS, dtype=jnp.int64 if jax.config.jax_enable_x64 else jnp.int32).astype(jnp.int32)
    species_ids = jax.random.randint(k2, (B,), 0, N_SPECIES).astype(jnp.int32)
    mask = jax.random.randint(k3, (B, L), 0, 2).astype(jnp.bool_)
    # CAI relative adaptiveness weights in (0, 1]
    weight_matrix = jax.random.uniform(k4, (N_SPECIES, N_CODONS), dtype=jnp.float32, minval=0.01, maxval=1.0)
    return {"codon_ids": codon_ids, "species_ids": species_ids, "mask": mask, "weight_matrix": weight_matrix}

def reference(codon_ids, species_ids, mask, weight_matrix):
    # weights[b, l] = weight_matrix[species_ids[b], codon_ids[b, l]]  (double gather)
    per_species_rows = jnp.take(weight_matrix, species_ids, axis=0)  # [B, n_codons]
    weights = jnp.take_along_axis(per_species_rows, codon_ids, axis=1)  # [B, L]
    weights = jnp.maximum(weights, 1e-08)  # clamp(min=1e-8)
    log_weights = jnp.log(weights)
    m = mask.astype(jnp.float32)
    masked_log_weights = log_weights * m
    sum_log_weights = masked_log_weights.sum(axis=1)
    valid_counts = jnp.maximum(m.sum(axis=1), 1.0)
    mean_log_weights = sum_log_weights / valid_counts
    cai = jnp.exp(mean_log_weights)
    return cai

if __name__ == "__main__":
    import jax
    _d = setup_inputs()
    print(jax.jit(kernel)(*tuple(_d.values())))

</pallas_src>

<mosaic_0001>
#map = affine_map<(d0, d1) -> (0, 0)>
#map1 = affine_map<(d0, d1) -> (0)>
module attributes {stable_mosaic.version = 14 : i64} {
  func.func @_cai_sc(%arg0: i32, %arg1: i32, %arg2: memref<4096x512xi32, #tpu.memory_space<hbm>>, %arg3: memref<4096xi32, #tpu.memory_space<hbm>>, %arg4: memref<640xf32, #tpu.memory_space<hbm>>, %arg5: memref<4096xf32, #tpu.memory_space<hbm>>, %arg6: memref<32x512xi32, #tpu.memory_space<vmem>>, %arg7: memref<32x512xi32, #tpu.memory_space<vmem>>, %arg8: memref<32x512xi32, #tpu.memory_space<vmem>>, %arg9: memref<32x512xi32, #tpu.memory_space<vmem>>, %arg10: memref<640xf32, #tpu.memory_space<vmem>>, %arg11: memref<128xi32, #tpu.memory_space<vmem>>, %arg12: memref<128xf32, #tpu.memory_space<vmem>>, %arg13: memref<128xf32, #tpu.memory_space<vmem>>, %arg14: memref<128xi32, #tpu.memory_space<vmem>>, %arg15: memref<!tpu.dma_semaphore, #tpu.memory_space<semaphore_mem>>, %arg16: memref<!tpu.dma_semaphore, #tpu.memory_space<semaphore_mem>>, %arg17: memref<!tpu.dma_semaphore, #tpu.memory_space<semaphore_mem>>, %arg18: memref<!tpu.dma_semaphore, #tpu.memory_space<semaphore_mem>>) attributes {dimension_semantics = [#tpu.dimension_semantics<core_parallel>, #tpu.dimension_semantics<subcore_parallel>], iteration_bounds = array<i64: 2, 16>, scalar_prefetch = 0 : i64, scratch_operands = 13 : i64, tpu.core_type = #tpu.core_type<sc_vector_subcore>, window_params = [{transform_indices = #map}, {transform_indices = #map1}, {transform_indices = #map1}, {transform_indices = #map1}]} {
    %mul3A = arith.constant 2 : i32
    %mul3A_0 = arith.muli %arg1, %mul3A : i32
    %add3A = arith.addi %mul3A_0, %arg0 : i32
    %mul3A_1 = arith.constant 128 : i32
    %mul3A_2 = arith.muli %add3A, %mul3A_1 : i32
    "tpu.region"() ({
      %run_scoped3A = tpu.sem_alloc : memref<!tpu.dma_semaphore, #tpu.memory_space<semaphore_mem>>
      tpu.enqueue_dma source(%arg4 : memref<640xf32, #tpu.memory_space<hbm>>) target(%arg10 : memref<640xf32, #tpu.memory_space<vmem>>) target_semaphore(%run_scoped3A : memref<!tpu.dma_semaphore, #tpu.memory_space<semaphore_mem>>)
      tpu.wait_dma2 semaphore(%run_scoped3A : memref<!tpu.dma_semaphore, #tpu.memory_space<semaphore_mem>>) src(%arg4 : memref<640xf32, #tpu.memory_space<hbm>>) dst(%arg10 : memref<640xf32, #tpu.memory_space<vmem>>)
      tpu.yield
    }) : () -> ()
    "tpu.region"() ({
      %run_scoped3A = tpu.sem_alloc : memref<!tpu.dma_semaphore, #tpu.memory_space<semaphore_mem>>
      %dma_start3A_160 = tpu.memref_slice %arg3[%mul3A_2] : memref<4096xi32, #tpu.memory_space<hbm>> -> memref<128xi32, #tpu.memory_space<hbm>>
      %dma_start3A_161 = tpu.memref_slice %arg3[%mul3A_2] : memref<4096xi32, #tpu.memory_space<hbm>> -> memref<128xi32, #tpu.memory_space<hbm>>
      tpu.enqueue_dma source(%dma_start3A_161 : memref<128xi32, #tpu.memory_space<hbm>>) target(%arg11 : memref<128xi32, #tpu.memory_space<vmem>>) target_semaphore(%run_scoped3A : memref<!tpu.dma_semaphore, #tpu.memory_space<semaphore_mem>>)
      %dma_wait3A_162 = tpu.memref_slice %arg3[%mul3A_2] : memref<4096xi32, #tpu.memory_space<hbm>> -> memref<128xi32, #tpu.memory_space<hbm>>
      %dma_wait3A_163 = tpu.memref_slice %arg3[%mul3A_2] : memref<4096xi32, #tpu.memory_space<hbm>> -> memref<128xi32, #tpu.memory_space<hbm>>
      tpu.wait_dma2 semaphore(%run_scoped3A : memref<!tpu.dma_semaphore, #tpu.memory_space<semaphore_mem>>) src(%dma_wait3A_163 : memref<128xi32, #tpu.memory_space<hbm>>) dst(%arg11 : memref<128xi32, #tpu.memory_space<vmem>>)
      tpu.yield
    }) : () -> ()
    %add3A_3 = arith.constant 0 : i32
    %add3A_4 = arith.addi %mul3A_2, %add3A_3 : i32
    %dma_start3A = arith.constant 0 : i32
    %dma_start3A_5 = tpu.memref_slice %arg2[%add3A_4, %dma_start3A] : memref<4096x512xi32, #tpu.memory_space<hbm>> -> memref<32x512xi32, #tpu.memory_space<hbm>>
    %dma_start3A_6 = arith.constant 0 : i32
    %dma_start3A_7 = tpu.memref_slice %arg2[%add3A_4, %dma_start3A_6] : memref<4096x512xi32, #tpu.memory_space<hbm>> -> memref<32x512xi32, #tpu.memory_space<hbm>>
    tpu.enqueue_dma source(%dma_start3A_7 : memref<32x512xi32, #tpu.memory_space<hbm>>) target(%arg6 : memref<32x512xi32, #tpu.memory_space<vmem>>) target_semaphore(%arg15 : memref<!tpu.dma_semaphore, #tpu.memory_space<semaphore_mem>>)
    %add3A_8 = arith.constant 32 : i32
    %add3A_9 = arith.addi %mul3A_2, %add3A_8 : i32
    %dma_start3A_10 = arith.constant 0 : i32
    %dma_start3A_11 = tpu.memref_slice %arg2[%add3A_9, %dma_start3A_10] : memref<4096x512xi32, #tpu.memory_space<hbm>> -> memref<32x512xi32, #tpu.memory_space<hbm>>
    %dma_start3A_12 = arith.constant 0 : i32
    %dma_start3A_13 = tpu.memref_slice %arg2[%add3A_9, %dma_start3A_12] : memref<4096x512xi32, #tpu.memory_space<hbm>> -> memref<32x512xi32, #tpu.memory_space<hbm>>
    tpu.enqueue_dma source(%dma_start3A_13 : memref<32x512xi32, #tpu.memory_space<hbm>>) target(%arg7 : memref<32x512xi32, #tpu.memory_space<vmem>>) target_semaphore(%arg16 : memref<!tpu.dma_semaphore, #tpu.memory_space<semaphore_mem>>)
    %add3A_14 = arith.constant 64 : i32
    %add3A_15 = arith.addi %mul3A_2, %add3A_14 : i32
    %dma_start3A_16 = arith.constant 0 : i32
    %dma_start3A_17 = tpu.memref_slice %arg2[%add3A_15, %dma_start3A_16] : memref<4096x512xi32, #tpu.memory_space<hbm>> -> memref<32x512xi32, #tpu.memory_space<hbm>>
    %dma_start3A_18 = arith.constant 0 : i32
    %dma_start3A_19 = tpu.memref_slice %arg2[%add3A_15, %dma_start3A_18] : memref<4096x512xi32, #tpu.memory_space<hbm>> -> memref<32x512xi32, #tpu.memory_space<hbm>>
    tpu.enqueue_dma source(%dma_start3A_19 : memref<32x512xi32, #tpu.memory_space<hbm>>) target(%arg8 : memref<32x512xi32, #tpu.memory_space<vmem>>) target_semaphore(%arg17 : memref<!tpu.dma_semaphore, #tpu.memory_space<semaphore_mem>>)
    %add3A_20 = arith.constant 96 : i32
    %add3A_21 = arith.addi %mul3A_2, %add3A_20 : i32
    %dma_start3A_22 = arith.constant 0 : i32
    %dma_start3A_23 = tpu.memref_slice %arg2[%add3A_21, %dma_start3A_22] : memref<4096x512xi32, #tpu.memory_space<hbm>> -> memref<32x512xi32, #tpu.memory_space<hbm>>
    %dma_start3A_24 = arith.constant 0 : i32
    %dma_start3A_25 = tpu.memref_slice %arg2[%add3A_21, %dma_start3A_24] : memref<4096x512xi32, #tpu.memory_space<hbm>> -> memref<32x512xi32, #tpu.memory_space<hbm>>
    tpu.enqueue_dma source(%dma_start3A_25 : memref<32x512xi32, #tpu.memory_space<hbm>>) target(%arg9 : memref<32x512xi32, #tpu.memory_space<vmem>>) target_semaphore(%arg18 : memref<!tpu.dma_semaphore, #tpu.memory_space<semaphore_mem>>)
    %iota3A = tpu.iota {dimensions = array<i32: 0>} : vector<16xi32>
    %dma_wait3A = arith.constant 0 : i32
    %dma_wait3A_26 = tpu.memref_slice %arg2[%add3A_4, %dma_wait3A] : memref<4096x512xi32, #tpu.memory_space<hbm>> -> memref<32x512xi32, #tpu.memory_space<hbm>>
    %dma_wait3A_27 = arith.constant 0 : i32
    %dma_wait3A_28 = tpu.memref_slice %arg2[%add3A_4, %dma_wait3A_27] : memref<4096x512xi32, #tpu.memory_space<hbm>> -> memref<32x512xi32, #tpu.memory_space<hbm>>
    tpu.wait_dma2 semaphore(%arg15 : memref<!tpu.dma_semaphore, #tpu.memory_space<semaphore_mem>>) src(%dma_wait3A_28 : memref<32x512xi32, #tpu.memory_space<hbm>>) dst(%arg6 : memref<32x512xi32, #tpu.memory_space<vmem>>)
    %dma_wait3A_29 = arith.constant 0 : i32
    %dma_wait3A_30 = tpu.memref_slice %arg2[%add3A_9, %dma_wait3A_29] : memref<4096x512xi32, #tpu.memory_space<hbm>> -> memref<32x512xi32, #tpu.memory_space<hbm>>
    %dma_wait3A_31 = arith.constant 0 : i32
    %dma_wait3A_32 = tpu.memref_slice %arg2[%add3A_9, %dma_wait3A_31] : memref<4096x512xi32, #tpu.memory_space<hbm>> -> memref<32x512xi32, #tpu.memory_space<hbm>>
    tpu.wait_dma2 semaphore(%arg16 : memref<!tpu.dma_semaphore, #tpu.memory_space<semaphore_mem>>) src(%dma_wait3A_32 : memref<32x512xi32, #tpu.memory_space<hbm>>) dst(%arg7 : memref<32x512xi32, #tpu.memory_space<vmem>>)
    %dma_wait3A_33 = arith.constant 0 : i32
    %dma_wait3A_34 = tpu.memref_slice %arg2[%add3A_15, %dma_wait3A_33] : memref<4096x512xi32, #tpu.memory_space<hbm>> -> memref<32x512xi32, #tpu.memory_space<hbm>>
    %dma_wait3A_35 = arith.constant 0 : i32
    %dma_wait3A_36 = tpu.memref_slice %arg2[%add3A_15, %dma_wait3A_35] : memref<4096x512xi32, #tpu.memory_space<hbm>> -> memref<32x512xi32, #tpu.memory_space<hbm>>
    tpu.wait_dma2 semaphore(%arg17 : memref<!tpu.dma_semaphore, #tpu.memory_space<semaphore_mem>>) src(%dma_wait3A_36 : memref<32x512xi32, #tpu.memory_space<hbm>>) dst(%arg8 : memref<32x512xi32, #tpu.memory_space<vmem>>)
    %dma_wait3A_37 = arith.constant 0 : i32
    %dma_wait3A_38 = tpu.memref_slice %arg2[%add3A_21, %dma_wait3A_37] : memref<4096x512xi32, #tpu.memory_space<hbm>> -> memref<32x512xi32, #tpu.memory_space<hbm>>
    %dma_wait3A_39 = arith.constant 0 : i32
    %dma_wait3A_40 = tpu.memref_slice %arg2[%add3A_21, %dma_wait3A_39] : memref<4096x512xi32, #tpu.memory_space<hbm>> -> memref<32x512xi32, #tpu.memory_space<hbm>>
    tpu.wait_dma2 semaphore(%arg18 : memref<!tpu.dma_semaphore, #tpu.memory_space<semaphore_mem>>) src(%dma_wait3A_40 : memref<32x512xi32, #tpu.memory_space<hbm>>) dst(%arg9 : memref<32x512xi32, #tpu.memory_space<vmem>>)
    %eq3A = arith.constant 15 : i32
    %eq3A_41 = vector.broadcast %eq3A : i32 to vector<16xi32>
    %eq3A_42 = arith.cmpi eq, %iota3A, %eq3A_41 : vector<16xi32>
    %scan3A = arith.constant 0 : i32
    %scan3A_43 = arith.constant 0 : i32
    %scan3A_44 = arith.constant 32 : i32
    %scan3A_45 = arith.addi %scan3A_43, %scan3A_44 : i32
    %scan3A_46 = arith.constant 1 : i32
    %scan3A_47 = scf.for %scan3A_160 = %scan3A_43 to %scan3A_45 step %scan3A_46 iter_args(%scan3A_161 = %scan3A) -> (i32)  : i32 {
      %add3A_162 = arith.constant 0 : i32
      %add3A_163 = arith.addi %add3A_162, %scan3A_160 : i32
      %broadcast_in_dim3A = vector.broadcast %add3A_163 : i32 to vector<16xi32>
      %gather3A = tpu.vector_load_idx %arg11[%broadcast_in_dim3A] : memref<128xi32, #tpu.memory_space<vmem>>[vector<16xi32>], vector<16xi32>,
      %mul3A_164 = arith.constant 128 : i32
      %mul3A_165 = vector.broadcast %mul3A_164 : i32 to vector<16xi32>
      %mul3A_166 = arith.muli %gather3A, %mul3A_165 : vector<16xi32>
      %broadcast_in_dim3A_167 = arith.constant 0.000000e+00 : f32
      %broadcast_in_dim3A_168 = vector.broadcast %broadcast_in_dim3A_167 : f32 to vector<16xf32>
      %broadcast_in_dim3A_169 = arith.constant 0 : i32
      %broadcast_in_dim3A_170 = vector.broadcast %broadcast_in_dim3A_169 : i32 to vector<16xi32>
      %scan3A_171 = arith.constant 0 : i32
      %scan3A_172 = arith.constant 32 : i32
      %scan3A_173 = arith.addi %scan3A_171, %scan3A_172 : i32
      %scan3A_174 = arith.constant 1 : i32
      %scan3A_175:2 = scf.for %scan3A_202 = %scan3A_171 to %scan3A_173 step %scan3A_174 iter_args(%scan3A_203 = %broadcast_in_dim3A_168, %scan3A_204 = %broadcast_in_dim3A_170) -> (vector<16xf32>, vector<16xi32>)  : i32 {
        %mul3A_205 = arith.constant 16 : i32
        %mul3A_206 = arith.muli %scan3A_202, %mul3A_205 : i32
        %get3A_207 = arith.index_cast %scan3A_160 : i32 to index
        %get3A_208 = arith.index_cast %mul3A_206 : i32 to index
        %get3A_209 = tpu.vector_load %arg6[%get3A_207, %get3A_208] {strides = array<i32>} : memref<32x512xi32, #tpu.memory_space<vmem>>, vector<16xi32>,
        %shift_right_arithmetic3A_210 = arith.constant 6 : i32
        %shift_right_arithmetic3A_211 = vector.broadcast %shift_right_arithmetic3A_210 : i32 to vector<16xi32>
        %shift_right_arithmetic3A_212 = arith.shrsi %get3A_209, %shift_right_arithmetic3A_211 : vector<16xi32>
        %and3A_213 = arith.constant 16843009 : i32
        %and3A_214 = vector.broadcast %and3A_213 : i32 to vector<16xi32>
        %and3A_215 = arith.andi %shift_right_arithmetic3A_212, %and3A_214 : vector<16xi32>
        %add3A_216 = arith.addi %scan3A_204, %and3A_215 : vector<16xi32>
        %and3A_217 = arith.constant 127 : i32
        %and3A_218 = vector.broadcast %and3A_217 : i32 to vector<16xi32>
        %and3A_219 = arith.andi %get3A_209, %and3A_218 : vector<16xi32>
        %add3A_220 = arith.addi %and3A_219, %mul3A_166 : vector<16xi32>
        %gather3A_221 = tpu.vector_load_idx %arg10[%add3A_220] : memref<640xf32, #tpu.memory_space<vmem>>[vector<16xi32>], vector<16xf32>,
        %add3A_222 = arith.addf %scan3A_203, %gather3A_221 : vector<16xf32>
        %shift_right_arithmetic3A_223 = arith.constant 8 : i32
        %shift_right_arithmetic3A_224 = vector.broadcast %shift_right_arithmetic3A_223 : i32 to vector<16xi32>
        %shift_right_arithmetic3A_225 = arith.shrsi %get3A_209, %shift_right_arithmetic3A_224 : vector<16xi32>
        %and3A_226 = arith.constant 127 : i32
        %and3A_227 = vector.broadcast %and3A_226 : i32 to vector<16xi32>
        %and3A_228 = arith.andi %shift_right_arithmetic3A_225, %and3A_227 : vector<16xi32>
        %add3A_229 = arith.addi %and3A_228, %mul3A_166 : vector<16xi32>
        %gather3A_230 = tpu.vector_load_idx %arg10[%add3A_229] : memref<640xf32, #tpu.memory_space<vmem>>[vector<16xi32>], vector<16xf32>,
        %add3A_231 = arith.addf %add3A_222, %gather3A_230 : vector<16xf32>
        %shift_right_arithmetic3A_232 = arith.constant 16 : i32
        %shift_right_arithmetic3A_233 = vector.broadcast %shift_right_arithmetic3A_232 : i32 to vector<16xi32>
        %shift_right_arithmetic3A_234 = arith.shrsi %get3A_209, %shift_right_arithmetic3A_233 : vector<16xi32>
        %and3A_235 = arith.constant 127 : i32
        %and3A_236 = vector.broadcast %and3A_235 : i32 to vector<16xi32>
        %and3A_237 = arith.andi %shift_right_arithmetic3A_234, %and3A_236 : vector<16xi32>
        %add3A_238 = arith.addi %and3A_237, %mul3A_166 : vector<16xi32>
        %gather3A_239 = tpu.vector_load_idx %arg10[%add3A_238] : memref<640xf32, #tpu.memory_space<vmem>>[vector<16xi32>], vector<16xf32>,
        %add3A_240 = arith.addf %add3A_231, %gather3A_239 : vector<16xf32>
        %shift_right_arithmetic3A_241 = arith.constant 24 : i32
        %shift_right_arithmetic3A_242 = vector.broadcast %shift_right_arithmetic3A_241 : i32 to vector<16xi32>
        %shift_right_arithmetic3A_243 = arith.shrsi %get3A_209, %shift_right_arithmetic3A_242 : vector<16xi32>
        %and3A_244 = arith.constant 127 : i32
        %and3A_245 = vector.broadcast %and3A_244 : i32 to vector<16xi32>
        %and3A_246 = arith.andi %shift_right_arithmetic3A_243, %and3A_245 : vector<16xi32>
        %add3A_247 = arith.addi %and3A_246, %mul3A_166 : vector<16xi32>
        %gather3A_248 = tpu.vector_load_idx %arg10[%add3A_247] : memref<640xf32, #tpu.memory_space<vmem>>[vector<16xi32>], vector<16xf32>,
        %add3A_249 = arith.addf %add3A_240, %gather3A_248 : vector<16xf32>
        scf.yield %add3A_249, %add3A_216 : vector<16xf32>, vector<16xi32>
      }
      %scan3A_176 = arith.constant 32 : i32
      %broadcast_in_dim3A_177 = arith.constant true
      %broadcast_in_dim3A_178 = vector.broadcast %broadcast_in_dim3A_177 : i1 to vector<16xi1>
      %masked_cumsum3A = tpu.scan <sum>, %scan3A_175#0 masked %broadcast_in_dim3A_178 : vector<16xf32>, vector<16xi1> -> vector<16xf32>
      tpu.vector_store_idx %arg13[%broadcast_in_dim3A], %masked_cumsum3A masked %eq3A_42 : memref<128xf32, #tpu.memory_space<vmem>>[vector<16xi32>], vector<16xf32>, vector<16xi1>
      %and3A = arith.constant 255 : i32
      %and3A_179 = vector.broadcast %and3A : i32 to vector<16xi32>
      %and3A_180 = arith.andi %scan3A_175#1, %and3A_179 : vector<16xi32>
      %shift_right_arithmetic3A = arith.constant 8 : i32
      %shift_right_arithmetic3A_181 = vector.broadcast %shift_right_arithmetic3A : i32 to vector<16xi32>
      %shift_right_arithmetic3A_182 = arith.shrsi %scan3A_175#1, %shift_right_arithmetic3A_181 : vector<16xi32>
      %and3A_183 = arith.constant 255 : i32
      %and3A_184 = vector.broadcast %and3A_183 : i32 to vector<16xi32>
      %and3A_185 = arith.andi %shift_right_arithmetic3A_182, %and3A_184 : vector<16xi32>
      %add3A_186 = arith.addi %and3A_180, %and3A_185 : vector<16xi32>
      %shift_right_arithmetic3A_187 = arith.constant 16 : i32
      %shift_right_arithmetic3A_188 = vector.broadcast %shift_right_arithmetic3A_187 : i32 to vector<16xi32>
      %shift_right_arithmetic3A_189 = arith.shrsi %scan3A_175#1, %shift_right_arithmetic3A_188 : vector<16xi32>
      %and3A_190 = arith.constant 255 : i32
      %and3A_191 = vector.broadcast %and3A_190 : i32 to vector<16xi32>
      %and3A_192 = arith.andi %shift_right_arithmetic3A_189, %and3A_191 : vector<16xi32>
      %add3A_193 = arith.addi %add3A_186, %and3A_192 : vector<16xi32>
      %shift_right_arithmetic3A_194 = arith.constant 24 : i32
      %shift_right_arithmetic3A_195 = vector.broadcast %shift_right_arithmetic3A_194 : i32 to vector<16xi32>
      %shift_right_arithmetic3A_196 = arith.shrsi %scan3A_175#1, %shift_right_arithmetic3A_195 : vector<16xi32>
      %add3A_197 = arith.addi %add3A_193, %shift_right_arithmetic3A_196 : vector<16xi32>
      %broadcast_in_dim3A_198 = arith.constant true
      %broadcast_in_dim3A_199 = vector.broadcast %broadcast_in_dim3A_198 : i1 to vector<16xi1>
      %masked_cumsum3A_200 = tpu.scan <sum>, %add3A_197 masked %broadcast_in_dim3A_199 : vector<16xi32>, vector<16xi1> -> vector<16xi32>
      tpu.vector_store_idx %arg14[%broadcast_in_dim3A], %masked_cumsum3A_200 masked %eq3A_42 : memref<128xi32, #tpu.memory_space<vmem>>[vector<16xi32>], vector<16xi32>, vector<16xi1>
      %scan3A_201 = arith.constant 0 : i32
      scf.yield %scan3A_201 : i32
    }
    %scan3A_48 = arith.constant 32 : i32
    %scan3A_49 = arith.constant 0 : i32
    %scan3A_50 = arith.constant 0 : i32
    %scan3A_51 = arith.constant 32 : i32
    %scan3A_52 = arith.addi %scan3A_50, %scan3A_51 : i32
    %scan3A_53 = arith.constant 1 : i32
    %scan3A_54 = scf.for %scan3A_160 = %scan3A_50 to %scan3A_52 step %scan3A_53 iter_args(%scan3A_161 = %scan3A_49) -> (i32)  : i32 {
      %add3A_162 = arith.constant 32 : i32
      %add3A_163 = arith.addi %add3A_162, %scan3A_160 : i32
      %broadcast_in_dim3A = vector.broadcast %add3A_163 : i32 to vector<16xi32>
      %gather3A = tpu.vector_load_idx %arg11[%broadcast_in_dim3A] : memref<128xi32, #tpu.memory_space<vmem>>[vector<16xi32>], vector<16xi32>,
      %mul3A_164 = arith.constant 128 : i32
      %mul3A_165 = vector.broadcast %mul3A_164 : i32 to vector<16xi32>
      %mul3A_166 = arith.muli %gather3A, %mul3A_165 : vector<16xi32>
      %broadcast_in_dim3A_167 = arith.constant 0.000000e+00 : f32
      %broadcast_in_dim3A_168 = vector.broadcast %broadcast_in_dim3A_167 : f32 to vector<16xf32>
      %broadcast_in_dim3A_169 = arith.constant 0 : i32
      %broadcast_in_dim3A_170 = vector.broadcast %broadcast_in_dim3A_169 : i32 to vector<16xi32>
      %scan3A_171 = arith.constant 0 : i32
      %scan3A_172 = arith.constant 32 : i32
      %scan3A_173 = arith.addi %scan3A_171, %scan3A_172 : i32
      %scan3A_174 = arith.constant 1 : i32
      %scan3A_175:2 = scf.for %scan3A_202 = %scan3A_171 to %scan3A_173 step %scan3A_174 iter_args(%scan3A_203 = %broadcast_in_dim3A_168, %scan3A_204 = %broadcast_in_dim3A_170) -> (vector<16xf32>, vector<16xi32>)  : i32 {
        %mul3A_205 = arith.constant 16 : i32
        %mul3A_206 = arith.muli %scan3A_202, %mul3A_205 : i32
        %get3A_207 = arith.index_cast %scan3A_160 : i32 to index
        %get3A_208 = arith.index_cast %mul3A_206 : i32 to index
        %get3A_209 = tpu.vector_load %arg7[%get3A_207, %get3A_208] {strides = array<i32>} : memref<32x512xi32, #tpu.memory_space<vmem>>, vector<16xi32>,
        %shift_right_arithmetic3A_210 = arith.constant 6 : i32
        %shift_right_arithmetic3A_211 = vector.broadcast %shift_right_arithmetic3A_210 : i32 to vector<16xi32>
        %shift_right_arithmetic3A_212 = arith.shrsi %get3A_209, %shift_right_arithmetic3A_211 : vector<16xi32>
        %and3A_213 = arith.constant 16843009 : i32
        %and3A_214 = vector.broadcast %and3A_213 : i32 to vector<16xi32>
        %and3A_215 = arith.andi %shift_right_arithmetic3A_212, %and3A_214 : vector<16xi32>
        %add3A_216 = arith.addi %scan3A_204, %and3A_215 : vector<16xi32>
        %and3A_217 = arith.constant 127 : i32
        %and3A_218 = vector.broadcast %and3A_217 : i32 to vector<16xi32>
        %and3A_219 = arith.andi %get3A_209, %and3A_218 : vector<16xi32>
        %add3A_220 = arith.addi %and3A_219, %mul3A_166 : vector<16xi32>
        %gather3A_221 = tpu.vector_load_idx %arg10[%add3A_220] : memref<640xf32, #tpu.memory_space<vmem>>[vector<16xi32>], vector<16xf32>,
        %add3A_222 = arith.addf %scan3A_203, %gather3A_221 : vector<16xf32>
        %shift_right_arithmetic3A_223 = arith.constant 8 : i32
        %shift_right_arithmetic3A_224 = vector.broadcast %shift_right_arithmetic3A_223 : i32 to vector<16xi32>
        %shift_right_arithmetic3A_225 = arith.shrsi %get3A_209, %shift_right_arithmetic3A_224 : vector<16xi32>
        %and3A_226 = arith.constant 127 : i32
        %and3A_227 = vector.broadcast %and3A_226 : i32 to vector<16xi32>
        %and3A_228 = arith.andi %shift_right_arithmetic3A_225, %and3A_227 : vector<16xi32>
        %add3A_229 = arith.addi %and3A_228, %mul3A_166 : vector<16xi32>
        %gather3A_230 = tpu.vector_load_idx %arg10[%add3A_229] : memref<640xf32, #tpu.memory_space<vmem>>[vector<16xi32>], vector<16xf32>,
        %add3A_231 = arith.addf %add3A_222, %gather3A_230 : vector<16xf32>
        %shift_right_arithmetic3A_232 = arith.constant 16 : i32
        %shift_right_arithmetic3A_233 = vector.broadcast %shift_right_arithmetic3A_232 : i32 to vector<16xi32>
        %shift_right_arithmetic3A_234 = arith.shrsi %get3A_209, %shift_right_arithmetic3A_233 : vector<16xi32>
        %and3A_235 = arith.constant 127 : i32
        %and3A_236 = vector.broadcast %and3A_235 : i32 to vector<16xi32>
        %and3A_237 = arith.andi %shift_right_arithmetic3A_234, %and3A_236 : vector<16xi32>
        %add3A_238 = arith.addi %and3A_237, %mul3A_166 : vector<16xi32>
        %gather3A_239 = tpu.vector_load_idx %arg10[%add3A_238] : memref<640xf32, #tpu.memory_space<vmem>>[vector<16xi32>], vector<16xf32>,
        %add3A_240 = arith.addf %add3A_231, %gather3A_239 : vector<16xf32>
        %shift_right_arithmetic3A_241 = arith.constant 24 : i32
        %shift_right_arithmetic3A_242 = vector.broadcast %shift_right_arithmetic3A_241 : i32 to vector<16xi32>
        %shift_right_arithmetic3A_243 = arith.shrsi %get3A_209, %shift_right_arithmetic3A_242 : vector<16xi32>
        %and3A_244 = arith.constant 127 : i32
        %and3A_245 = vector.broadcast %and3A_244 : i32 to vector<16xi32>
        %and3A_246 = arith.andi %shift_right_arithmetic3A_243, %and3A_245 : vector<16xi32>
        %add3A_247 = arith.addi %and3A_246, %mul3A_166 : vector<16xi32>
        %gather3A_248 = tpu.vector_load_idx %arg10[%add3A_247] : memref<640xf32, #tpu.memory_space<vmem>>[vector<16xi32>], vector<16xf32>,
        %add3A_249 = arith.addf %add3A_240, %gather3A_248 : vector<16xf32>
        scf.yield %add3A_249, %add3A_216 : vector<16xf32>, vector<16xi32>
      }
      %scan3A_176 = arith.constant 32 : i32
      %broadcast_in_dim3A_177 = arith.constant true
      %broadcast_in_dim3A_178 = vector.broadcast %broadcast_in_dim3A_177 : i1 to vector<16xi1>
      %masked_cumsum3A = tpu.scan <sum>, %scan3A_175#0 masked %broadcast_in_dim3A_178 : vector<16xf32>, vector<16xi1> -> vector<16xf32>
      tpu.vector_store_idx %arg13[%broadcast_in_dim3A], %masked_cumsum3A masked %eq3A_42 : memref<128xf32, #tpu.memory_space<vmem>>[vector<16xi32>], vector<16xf32>, vector<16xi1>
      %and3A = arith.constant 255 : i32
      %and3A_179 = vector.broadcast %and3A : i32 to vector<16xi32>
      %and3A_180 = arith.andi %scan3A_175#1, %and3A_179 : vector<16xi32>
      %shift_right_arithmetic3A = arith.constant 8 : i32
      %shift_right_arithmetic3A_181 = vector.broadcast %shift_right_arithmetic3A : i32 to vector<16xi32>
      %shift_right_arithmetic3A_182 = arith.shrsi %scan3A_175#1, %shift_right_arithmetic3A_181 : vector<16xi32>
      %and3A_183 = arith.constant 255 : i32
      %and3A_184 = vector.broadcast %and3A_183 : i32 to vector<16xi32>
      %and3A_185 = arith.andi %shift_right_arithmetic3A_182, %and3A_184 : vector<16xi32>
      %add3A_186 = arith.addi %and3A_180, %and3A_185 : vector<16xi32>
      %shift_right_arithmetic3A_187 = arith.constant 16 : i32
      %shift_right_arithmetic3A_188 = vector.broadcast %shift_right_arithmetic3A_187 : i32 to vector<16xi32>
      %shift_right_arithmetic3A_189 = arith.shrsi %scan3A_175#1, %shift_right_arithmetic3A_188 : vector<16xi32>
      %and3A_190 = arith.constant 255 : i32
      %and3A_191 = vector.broadcast %and3A_190 : i32 to vector<16xi32>
      %and3A_192 = arith.andi %shift_right_arithmetic3A_189, %and3A_191 : vector<16xi32>
      %add3A_193 = arith.addi %add3A_186, %and3A_192 : vector<16xi32>
      %shift_right_arithmetic3A_194 = arith.constant 24 : i32
      %shift_right_arithmetic3A_195 = vector.broadcast %shift_right_arithmetic3A_194 : i32 to vector<16xi32>
      %shift_right_arithmetic3A_196 = arith.shrsi %scan3A_175#1, %shift_right_arithmetic3A_195 : vector<16xi32>
      %add3A_197 = arith.addi %add3A_193, %shift_right_arithmetic3A_196 : vector<16xi32>
      %broadcast_in_dim3A_198 = arith.constant true
      %broadcast_in_dim3A_199 = vector.broadcast %broadcast_in_dim3A_198 : i1 to vector<16xi1>
      %masked_cumsum3A_200 = tpu.scan <sum>, %add3A_197 masked %broadcast_in_dim3A_199 : vector<16xi32>, vector<16xi1> -> vector<16xi32>
      tpu.vector_store_idx %arg14[%broadcast_in_dim3A], %masked_cumsum3A_200 masked %eq3A_42 : memref<128xi32, #tpu.memory_space<vmem>>[vector<16xi32>], vector<16xi32>, vector<16xi1>
      %scan3A_201 = arith.constant 0 : i32
      scf.yield %scan3A_201 : i32
    }
    %scan3A_55 = arith.constant 32 : i32
    %scan3A_56 = arith.constant 0 : i32
    %scan3A_57 = arith.constant 0 : i32
    %scan3A_58 = arith.constant 32 : i32
    %scan3A_59 = arith.addi %scan3A_57, %scan3A_58 : i32
    %scan3A_60 = arith.constant 1 : i32
    %scan3A_61 = scf.for %scan3A_160 = %scan3A_57 to %scan3A_59 step %scan3A_60 iter_args(%scan3A_161 = %scan3A_56) -> (i32)  : i32 {
      %add3A_162 = arith.constant 64 : i32
      %add3A_163 = arith.addi %add3A_162, %scan3A_160 : i32
      %broadcast_in_dim3A = vector.broadcast %add3A_163 : i32 to vector<16xi32>
      %gather3A = tpu.vector_load_idx %arg11[%broadcast_in_dim3A] : memref<128xi32, #tpu.memory_space<vmem>>[vector<16xi32>], vector<16xi32>,
      %mul3A_164 = arith.constant 128 : i32
      %mul3A_165 = vector.broadcast %mul3A_164 : i32 to vector<16xi32>
      %mul3A_166 = arith.muli %gather3A, %mul3A_165 : vector<16xi32>
      %broadcast_in_dim3A_167 = arith.constant 0.000000e+00 : f32
      %broadcast_in_dim3A_168 = vector.broadcast %broadcast_in_dim3A_167 : f32 to vector<16xf32>
      %broadcast_in_dim3A_169 = arith.constant 0 : i32
      %broadcast_in_dim3A_170 = vector.broadcast %broadcast_in_dim3A_169 : i32 to vector<16xi32>
      %scan3A_171 = arith.constant 0 : i32
      %scan3A_172 = arith.constant 32 : i32
      %scan3A_173 = arith.addi %scan3A_171, %scan3A_172 : i32
      %scan3A_174 = arith.constant 1 : i32
      %scan3A_175:2 = scf.for %scan3A_202 = %scan3A_171 to %scan3A_173 step %scan3A_174 iter_args(%scan3A_203 = %broadcast_in_dim3A_168, %scan3A_204 = %broadcast_in_dim3A_170) -> (vector<16xf32>, vector<16xi32>)  : i32 {
        %mul3A_205 = arith.constant 16 : i32
        %mul3A_206 = arith.muli %scan3A_202, %mul3A_205 : i32
        %get3A_207 = arith.index_cast %scan3A_160 : i32 to index
        %get3A_208 = arith.index_cast %mul3A_206 : i32 to index
        %get3A_209 = tpu.vector_load %arg8[%get3A_207, %get3A_208] {strides = array<i32>} : memref<32x512xi32, #tpu.memory_space<vmem>>, vector<16xi32>,
        %shift_right_arithmetic3A_210 = arith.constant 6 : i32
        %shift_right_arithmetic3A_211 = vector.broadcast %shift_right_arithmetic3A_210 : i32 to vector<16xi32>
        %shift_right_arithmetic3A_212 = arith.shrsi %get3A_209, %shift_right_arithmetic3A_211 : vector<16xi32>
        %and3A_213 = arith.constant 16843009 : i32
        %and3A_214 = vector.broadcast %and3A_213 : i32 to vector<16xi32>
        %and3A_215 = arith.andi %shift_right_arithmetic3A_212, %and3A_214 : vector<16xi32>
        %add3A_216 = arith.addi %scan3A_204, %and3A_215 : vector<16xi32>
        %and3A_217 = arith.constant 127 : i32
        %and3A_218 = vector.broadcast %and3A_217 : i32 to vector<16xi32>
        %and3A_219 = arith.andi %get3A_209, %and3A_218 : vector<16xi32>
        %add3A_220 = arith.addi %and3A_219, %mul3A_166 : vector<16xi32>
        %gather3A_221 = tpu.vector_load_idx %arg10[%add3A_220] : memref<640xf32, #tpu.memory_space<vmem>>[vector<16xi32>], vector<16xf32>,
        %add3A_222 = arith.addf %scan3A_203, %gather3A_221 : vector<16xf32>
        %shift_right_arithmetic3A_223 = arith.constant 8 : i32
        %shift_right_arithmetic3A_224 = vector.broadcast %shift_right_arithmetic3A_223 : i32 to vector<16xi32>
        %shift_right_arithmetic3A_225 = arith.shrsi %get3A_209, %shift_right_arithmetic3A_224 : vector<16xi32>
        %and3A_226 = arith.constant 127 : i32
        %and3A_227 = vector.broadcast %and3A_226 : i32 to vector<16xi32>
        %and3A_228 = arith.andi %shift_right_arithmetic3A_225, %and3A_227 : vector<16xi32>
        %add3A_229 = arith.addi %and3A_228, %mul3A_166 : vector<16xi32>
        %gather3A_230 = tpu.vector_load_idx %arg10[%add3A_229] : memref<640xf32, #tpu.memory_space<vmem>>[vector<16xi32>], vector<16xf32>,
        %add3A_231 = arith.addf %add3A_222, %gather3A_230 : vector<16xf32>
        %shift_right_arithmetic3A_232 = arith.constant 16 : i32
        %shift_right_arithmetic3A_233 = vector.broadcast %shift_right_arithmetic3A_232 : i32 to vector<16xi32>
        %shift_right_arithmetic3A_234 = arith.shrsi %get3A_209, %shift_right_arithmetic3A_233 : vector<16xi32>
        %and3A_235 = arith.constant 127 : i32
        %and3A_236 = vector.broadcast %and3A_235 : i32 to vector<16xi32>
        %and3A_237 = arith.andi %shift_right_arithmetic3A_234, %and3A_236 : vector<16xi32>
        %add3A_238 = arith.addi %and3A_237, %mul3A_166 : vector<16xi32>
        %gather3A_239 = tpu.vector_load_idx %arg10[%add3A_238] : memref<640xf32, #tpu.memory_space<vmem>>[vector<16xi32>], vector<16xf32>,
        %add3A_240 = arith.addf %add3A_231, %gather3A_239 : vector<16xf32>
        %shift_right_arithmetic3A_241 = arith.constant 24 : i32
        %shift_right_arithmetic3A_242 = vector.broadcast %shift_right_arithmetic3A_241 : i32 to vector<16xi32>
        %shift_right_arithmetic3A_243 = arith.shrsi %get3A_209, %shift_right_arithmetic3A_242 : vector<16xi32>
        %and3A_244 = arith.constant 127 : i32
        %and3A_245 = vector.broadcast %and3A_244 : i32 to vector<16xi32>
        %and3A_246 = arith.andi %shift_right_arithmetic3A_243, %and3A_245 : vector<16xi32>
        %add3A_247 = arith.addi %and3A_246, %mul3A_166 : vector<16xi32>
        %gather3A_248 = tpu.vector_load_idx %arg10[%add3A_247] : memref<640xf32, #tpu.memory_space<vmem>>[vector<16xi32>], vector<16xf32>,
        %add3A_249 = arith.addf %add3A_240, %gather3A_248 : vector<16xf32>
        scf.yield %add3A_249, %add3A_216 : vector<16xf32>, vector<16xi32>
      }
      %scan3A_176 = arith.constant 32 : i32
      %broadcast_in_dim3A_177 = arith.constant true
      %broadcast_in_dim3A_178 = vector.broadcast %broadcast_in_dim3A_177 : i1 to vector<16xi1>
      %masked_cumsum3A = tpu.scan <sum>, %scan3A_175#0 masked %broadcast_in_dim3A_178 : vector<16xf32>, vector<16xi1> -> vector<16xf32>
      tpu.vector_store_idx %arg13[%broadcast_in_dim3A], %masked_cumsum3A masked %eq3A_42 : memref<128xf32, #tpu.memory_space<vmem>>[vector<16xi32>], vector<16xf32>, vector<16xi1>
      %and3A = arith.constant 255 : i32
      %and3A_179 = vector.broadcast %and3A : i32 to vector<16xi32>
      %and3A_180 = arith.andi %scan3A_175#1, %and3A_179 : vector<16xi32>
      %shift_right_arithmetic3A = arith.constant 8 : i32
      %shift_right_arithmetic3A_181 = vector.broadcast %shift_right_arithmetic3A : i32 to vector<16xi32>
      %shift_right_arithmetic3A_182 = arith.shrsi %scan3A_175#1, %shift_right_arithmetic3A_181 : vector<16xi32>
      %and3A_183 = arith.constant 255 : i32
      %and3A_184 = vector.broadcast %and3A_183 : i32 to vector<16xi32>
      %and3A_185 = arith.andi %shift_right_arithmetic3A_182, %and3A_184 : vector<16xi32>
      %add3A_186 = arith.addi %and3A_180, %and3A_185 : vector<16xi32>
      %shift_right_arithmetic3A_187 = arith.constant 16 : i32
      %shift_right_arithmetic3A_188 = vector.broadcast %shift_right_arithmetic3A_187 : i32 to vector<16xi32>
      %shift_right_arithmetic3A_189 = arith.shrsi %scan3A_175#1, %shift_right_arithmetic3A_188 : vector<16xi32>
      %and3A_190 = arith.constant 255 : i32
      %and3A_191 = vector.broadcast %and3A_190 : i32 to vector<16xi32>
      %and3A_192 = arith.andi %shift_right_arithmetic3A_189, %and3A_191 : vector<16xi32>
      %add3A_193 = arith.addi %add3A_186, %and3A_192 : vector<16xi32>
      %shift_right_arithmetic3A_194 = arith.constant 24 : i32
      %shift_right_arithmetic3A_195 = vector.broadcast %shift_right_arithmetic3A_194 : i32 to vector<16xi32>
      %shift_right_arithmetic3A_196 = arith.shrsi %scan3A_175#1, %shift_right_arithmetic3A_195 : vector<16xi32>
      %add3A_197 = arith.addi %add3A_193, %shift_right_arithmetic3A_196 : vector<16xi32>
      %broadcast_in_dim3A_198 = arith.constant true
      %broadcast_in_dim3A_199 = vector.broadcast %broadcast_in_dim3A_198 : i1 to vector<16xi1>
      %masked_cumsum3A_200 = tpu.scan <sum>, %add3A_197 masked %broadcast_in_dim3A_199 : vector<16xi32>, vector<16xi1> -> vector<16xi32>
      tpu.vector_store_idx %arg14[%broadcast_in_dim3A], %masked_cumsum3A_200 masked %eq3A_42 : memref<128xi32, #tpu.memory_space<vmem>>[vector<16xi32>], vector<16xi32>, vector<16xi1>
      %scan3A_201 = arith.constant 0 : i32
      scf.yield %scan3A_201 : i32
    }
    %scan3A_62 = arith.constant 32 : i32
    %scan3A_63 = arith.constant 0 : i32
    %scan3A_64 = arith.constant 0 : i32
    %scan3A_65 = arith.constant 32 : i32
    %scan3A_66 = arith.addi %scan3A_64, %scan3A_65 : i32
    %scan3A_67 = arith.constant 1 : i32
    %scan3A_68 = scf.for %scan3A_160 = %scan3A_64 to %scan3A_66 step %scan3A_67 iter_args(%scan3A_161 = %scan3A_63) -> (i32)  : i32 {
      %add3A_162 = arith.constant 96 : i32
      %add3A_163 = arith.addi %add3A_162, %scan3A_160 : i32
      %broadcast_in_dim3A = vector.broadcast %add3A_163 : i32 to vector<16xi32>
      %gather3A = tpu.vector_load_idx %arg11[%broadcast_in_dim3A] : memref<128xi32, #tpu.memory_space<vmem>>[vector<16xi32>], vector<16xi32>,
      %mul3A_164 = arith.constant 128 : i32
      %mul3A_165 = vector.broadcast %mul3A_164 : i32 to vector<16xi32>
      %mul3A_166 = arith.muli %gather3A, %mul3A_165 : vector<16xi32>
      %broadcast_in_dim3A_167 = arith.constant 0.000000e+00 : f32
      %broadcast_in_dim3A_168 = vector.broadcast %broadcast_in_dim3A_167 : f32 to vector<16xf32>
      %broadcast_in_dim3A_169 = arith.constant 0 : i32
      %broadcast_in_dim3A_170 = vector.broadcast %broadcast_in_dim3A_169 : i32 to vector<16xi32>
      %scan3A_171 = arith.constant 0 : i32
      %scan3A_172 = arith.constant 32 : i32
      %scan3A_173 = arith.addi %scan3A_171, %scan3A_172 : i32
      %scan3A_174 = arith.constant 1 : i32
      %scan3A_175:2 = scf.for %scan3A_202 = %scan3A_171 to %scan3A_173 step %scan3A_174 iter_args(%scan3A_203 = %broadcast_in_dim3A_168, %scan3A_204 = %broadcast_in_dim3A_170) -> (vector<16xf32>, vector<16xi32>)  : i32 {
        %mul3A_205 = arith.constant 16 : i32
        %mul3A_206 = arith.muli %scan3A_202, %mul3A_205 : i32
        %get3A_207 = arith.index_cast %scan3A_160 : i32 to index
        %get3A_208 = arith.index_cast %mul3A_206 : i32 to index
        %get3A_209 = tpu.vector_load %arg9[%get3A_207, %get3A_208] {strides = array<i32>} : memref<32x512xi32, #tpu.memory_space<vmem>>, vector<16xi32>,
        %shift_right_arithmetic3A_210 = arith.constant 6 : i32
        %shift_right_arithmetic3A_211 = vector.broadcast %shift_right_arithmetic3A_210 : i32 to vector<16xi32>
        %shift_right_arithmetic3A_212 = arith.shrsi %get3A_209, %shift_right_arithmetic3A_211 : vector<16xi32>
        %and3A_213 = arith.constant 16843009 : i32
        %and3A_214 = vector.broadcast %and3A_213 : i32 to vector<16xi32>
        %and3A_215 = arith.andi %shift_right_arithmetic3A_212, %and3A_214 : vector<16xi32>
        %add3A_216 = arith.addi %scan3A_204, %and3A_215 : vector<16xi32>
        %and3A_217 = arith.constant 127 : i32
        %and3A_218 = vector.broadcast %and3A_217 : i32 to vector<16xi32>
        %and3A_219 = arith.andi %get3A_209, %and3A_218 : vector<16xi32>
        %add3A_220 = arith.addi %and3A_219, %mul3A_166 : vector<16xi32>
        %gather3A_221 = tpu.vector_load_idx %arg10[%add3A_220] : memref<640xf32, #tpu.memory_space<vmem>>[vector<16xi32>], vector<16xf32>,
        %add3A_222 = arith.addf %scan3A_203, %gather3A_221 : vector<16xf32>
        %shift_right_arithmetic3A_223 = arith.constant 8 : i32
        %shift_right_arithmetic3A_224 = vector.broadcast %shift_right_arithmetic3A_223 : i32 to vector<16xi32>
        %shift_right_arithmetic3A_225 = arith.shrsi %get3A_209, %shift_right_arithmetic3A_224 : vector<16xi32>
        %and3A_226 = arith.constant 127 : i32
        %and3A_227 = vector.broadcast %and3A_226 : i32 to vector<16xi32>
        %and3A_228 = arith.andi %shift_right_arithmetic3A_225, %and3A_227 : vector<16xi32>
        %add3A_229 = arith.addi %and3A_228, %mul3A_166 : vector<16xi32>
        %gather3A_230 = tpu.vector_load_idx %arg10[%add3A_229] : memref<640xf32, #tpu.memory_space<vmem>>[vector<16xi32>], vector<16xf32>,
        %add3A_231 = arith.addf %add3A_222, %gather3A_230 : vector<16xf32>
        %shift_right_arithmetic3A_232 = arith.constant 16 : i32
        %shift_right_arithmetic3A_233 = vector.broadcast %shift_right_arithmetic3A_232 : i32 to vector<16xi32>
        %shift_right_arithmetic3A_234 = arith.shrsi %get3A_209, %shift_right_arithmetic3A_233 : vector<16xi32>
        %and3A_235 = arith.constant 127 : i32
        %and3A_236 = vector.broadcast %and3A_235 : i32 to vector<16xi32>
        %and3A_237 = arith.andi %shift_right_arithmetic3A_234, %and3A_236 : vector<16xi32>
        %add3A_238 = arith.addi %and3A_237, %mul3A_166 : vector<16xi32>
        %gather3A_239 = tpu.vector_load_idx %arg10[%add3A_238] : memref<640xf32, #tpu.memory_space<vmem>>[vector<16xi32>], vector<16xf32>,
        %add3A_240 = arith.addf %add3A_231, %gather3A_239 : vector<16xf32>
        %shift_right_arithmetic3A_241 = arith.constant 24 : i32
        %shift_right_arithmetic3A_242 = vector.broadcast %shift_right_arithmetic3A_241 : i32 to vector<16xi32>
        %shift_right_arithmetic3A_243 = arith.shrsi %get3A_209, %shift_right_arithmetic3A_242 : vector<16xi32>
        %and3A_244 = arith.constant 127 : i32
        %and3A_245 = vector.broadcast %and3A_244 : i32 to vector<16xi32>
        %and3A_246 = arith.andi %shift_right_arithmetic3A_243, %and3A_245 : vector<16xi32>
        %add3A_247 = arith.addi %and3A_246, %mul3A_166 : vector<16xi32>
        %gather3A_248 = tpu.vector_load_idx %arg10[%add3A_247] : memref<640xf32, #tpu.memory_space<vmem>>[vector<16xi32>], vector<16xf32>,
        %add3A_249 = arith.addf %add3A_240, %gather3A_248 : vector<16xf32>
        scf.yield %add3A_249, %add3A_216 : vector<16xf32>, vector<16xi32>
      }
      %scan3A_176 = arith.constant 32 : i32
      %broadcast_in_dim3A_177 = arith.constant true
      %broadcast_in_dim3A_178 = vector.broadcast %broadcast_in_dim3A_177 : i1 to vector<16xi1>
      %masked_cumsum3A = tpu.scan <sum>, %scan3A_175#0 masked %broadcast_in_dim3A_178 : vector<16xf32>, vector<16xi1> -> vector<16xf32>
      tpu.vector_store_idx %arg13[%broadcast_in_dim3A], %masked_cumsum3A masked %eq3A_42 : memref<128xf32, #tpu.memory_space<vmem>>[vector<16xi32>], vector<16xf32>, vector<16xi1>
      %and3A = arith.constant 255 : i32
      %and3A_179 = vector.broadcast %and3A : i32 to vector<16xi32>
      %and3A_180 = arith.andi %scan3A_175#1, %and3A_179 : vector<16xi32>
      %shift_right_arithmetic3A = arith.constant 8 : i32
      %shift_right_arithmetic3A_181 = vector.broadcast %shift_right_arithmetic3A : i32 to vector<16xi32>
      %shift_right_arithmetic3A_182 = arith.shrsi %scan3A_175#1, %shift_right_arithmetic3A_181 : vector<16xi32>
      %and3A_183 = arith.constant 255 : i32
      %and3A_184 = vector.broadcast %and3A_183 : i32 to vector<16xi32>
      %and3A_185 = arith.andi %shift_right_arithmetic3A_182, %and3A_184 : vector<16xi32>
      %add3A_186 = arith.addi %and3A_180, %and3A_185 : vector<16xi32>
      %shift_right_arithmetic3A_187 = arith.constant 16 : i32
      %shift_right_arithmetic3A_188 = vector.broadcast %shift_right_arithmetic3A_187 : i32 to vector<16xi32>
      %shift_right_arithmetic3A_189 = arith.shrsi %scan3A_175#1, %shift_right_arithmetic3A_188 : vector<16xi32>
      %and3A_190 = arith.constant 255 : i32
      %and3A_191 = vector.broadcast %and3A_190 : i32 to vector<16xi32>
      %and3A_192 = arith.andi %shift_right_arithmetic3A_189, %and3A_191 : vector<16xi32>
      %add3A_193 = arith.addi %add3A_186, %and3A_192 : vector<16xi32>
      %shift_right_arithmetic3A_194 = arith.constant 24 : i32
      %shift_right_arithmetic3A_195 = vector.broadcast %shift_right_arithmetic3A_194 : i32 to vector<16xi32>
      %shift_right_arithmetic3A_196 = arith.shrsi %scan3A_175#1, %shift_right_arithmetic3A_195 : vector<16xi32>
      %add3A_197 = arith.addi %add3A_193, %shift_right_arithmetic3A_196 : vector<16xi32>
      %broadcast_in_dim3A_198 = arith.constant true
      %broadcast_in_dim3A_199 = vector.broadcast %broadcast_in_dim3A_198 : i1 to vector<16xi1>
      %masked_cumsum3A_200 = tpu.scan <sum>, %add3A_197 masked %broadcast_in_dim3A_199 : vector<16xi32>, vector<16xi1> -> vector<16xi32>
      tpu.vector_store_idx %arg14[%broadcast_in_dim3A], %masked_cumsum3A_200 masked %eq3A_42 : memref<128xi32, #tpu.memory_space<vmem>>[vector<16xi32>], vector<16xi32>, vector<16xi1>
      %scan3A_201 = arith.constant 0 : i32
      scf.yield %scan3A_201 : i32
    }
    %scan3A_69 = arith.constant 32 : i32
    %get3A = arith.constant 0 : index
    %get3A_70 = tpu.vector_load %arg13[%get3A] {strides = array<i32>} : memref<128xf32, #tpu.memory_space<vmem>>, vector<16xf32>,
    %get3A_71 = arith.constant 0 : index
    %get3A_72 = tpu.vector_load %arg14[%get3A_71] {strides = array<i32>} : memref<128xi32, #tpu.memory_space<vmem>>, vector<16xi32>,
    %convert_element_type3A = arith.sitofp %get3A_72 : vector<16xi32> to vector<16xf32>
    %max3A = arith.constant 1.000000e+00 : f32
    %max3A_73 = vector.broadcast %max3A : f32 to vector<16xf32>
    %max3A_74 = arith.maximumf %convert_element_type3A, %max3A_73 : vector<16xf32>
    %div3A = arith.divf %get3A_70, %max3A_74 : vector<16xf32>
    %exp3A = math.exp %div3A : vector<16xf32>
    %swap3A = arith.constant 0 : index
    %swap3A_75 = tpu.vector_load %arg12[%swap3A] {strides = array<i32>} : memref<128xf32, #tpu.memory_space<vmem>>, vector<16xf32>,
    tpu.vector_store %arg12[%swap3A], %exp3A {strides = array<i32>} : memref<128xf32, #tpu.memory_space<vmem>>, vector<16xf32>,
    %get3A_76 = arith.constant 16 : index
    %get3A_77 = tpu.vector_load %arg13[%get3A_76] {strides = array<i32>} : memref<128xf32, #tpu.memory_space<vmem>>, vector<16xf32>,
    %get3A_78 = arith.constant 16 : index
    %get3A_79 = tpu.vector_load %arg14[%get3A_78] {strides = array<i32>} : memref<128xi32, #tpu.memory_space<vmem>>, vector<16xi32>,
    %convert_element_type3A_80 = arith.sitofp %get3A_79 : vector<16xi32> to vector<16xf32>
    %max3A_81 = arith.constant 1.000000e+00 : f32
    %max3A_82 = vector.broadcast %max3A_81 : f32 to vector<16xf32>
    %max3A_83 = arith.maximumf %convert_element_type3A_80, %max3A_82 : vector<16xf32>
    %div3A_84 = arith.divf %get3A_77, %max3A_83 : vector<16xf32>
    %exp3A_85 = math.exp %div3A_84 : vector<16xf32>
    %swap3A_86 = arith.constant 16 : index
    %swap3A_87 = tpu.vector_load %arg12[%swap3A_86] {strides = array<i32>} : memref<128xf32, #tpu.memory_space<vmem>>, vector<16xf32>,
    tpu.vector_store %arg12[%swap3A_86], %exp3A_85 {strides = array<i32>} : memref<128xf32, #tpu.memory_space<vmem>>, vector<16xf32>,
    %get3A_88 = arith.constant 32 : index
    %get3A_89 = tpu.vector_load %arg13[%get3A_88] {strides = array<i32>} : memref<128xf32, #tpu.memory_space<vmem>>, vector<16xf32>,
    %get3A_90 = arith.constant 32 : index
    %get3A_91 = tpu.vector_load %arg14[%get3A_90] {strides = array<i32>} : memref<128xi32, #tpu.memory_space<vmem>>, vector<16xi32>,
    %convert_element_type3A_92 = arith.sitofp %get3A_91 : vector<16xi32> to vector<16xf32>
    %max3A_93 = arith.constant 1.000000e+00 : f32
    %max3A_94 = vector.broadcast %max3A_93 : f32 to vector<16xf32>
    %max3A_95 = arith.maximumf %convert_element_type3A_92, %max3A_94 : vector<16xf32>
    %div3A_96 = arith.divf %get3A_89, %max3A_95 : vector<16xf32>
    %exp3A_97 = math.exp %div3A_96 : vector<16xf32>
    %swap3A_98 = arith.constant 32 : index
    %swap3A_99 = tpu.vector_load %arg12[%swap3A_98] {strides = array<i32>} : memref<128xf32, #tpu.memory_space<vmem>>, vector<16xf32>,
    tpu.vector_store %arg12[%swap3A_98], %exp3A_97 {strides = array<i32>} : memref<128xf32, #tpu.memory_space<vmem>>, vector<16xf32>,
    %get3A_100 = arith.constant 48 : index
    %get3A_101 = tpu.vector_load %arg13[%get3A_100] {strides = array<i32>} : memref<128xf32, #tpu.memory_space<vmem>>, vector<16xf32>,
    %get3A_102 = arith.constant 48 : index
    %get3A_103 = tpu.vector_load %arg14[%get3A_102] {strides = array<i32>} : memref<128xi32, #tpu.memory_space<vmem>>, vector<16xi32>,
    %convert_element_type3A_104 = arith.sitofp %get3A_103 : vector<16xi32> to vector<16xf32>
    %max3A_105 = arith.constant 1.000000e+00 : f32
    %max3A_106 = vector.broadcast %max3A_105 : f32 to vector<16xf32>
    %max3A_107 = arith.maximumf %convert_element_type3A_104, %max3A_106 : vector<16xf32>
    %div3A_108 = arith.divf %get3A_101, %max3A_107 : vector<16xf32>
    %exp3A_109 = math.exp %div3A_108 : vector<16xf32>
    %swap3A_110 = arith.constant 48 : index
    %swap3A_111 = tpu.vector_load %arg12[%swap3A_110] {strides = array<i32>} : memref<128xf32, #tpu.memory_space<vmem>>, vector<16xf32>,
    tpu.vector_store %arg12[%swap3A_110], %exp3A_109 {strides = array<i32>} : memref<128xf32, #tpu.memory_space<vmem>>, vector<16xf32>,
    %get3A_112 = arith.constant 64 : index
    %get3A_113 = tpu.vector_load %arg13[%get3A_112] {strides = array<i32>} : memref<128xf32, #tpu.memory_space<vmem>>, vector<16xf32>,
    %get3A_114 = arith.constant 64 : index
    %get3A_115 = tpu.vector_load %arg14[%get3A_114] {strides = array<i32>} : memref<128xi32, #tpu.memory_space<vmem>>, vector<16xi32>,
    %convert_element_type3A_116 = arith.sitofp %get3A_115 : vector<16xi32> to vector<16xf32>
    %max3A_117 = arith.constant 1.000000e+00 : f32
    %max3A_118 = vector.broadcast %max3A_117 : f32 to vector<16xf32>
    %max3A_119 = arith.maximumf %convert_element_type3A_116, %max3A_118 : vector<16xf32>
    %div3A_120 = arith.divf %get3A_113, %max3A_119 : vector<16xf32>
    %exp3A_121 = math.exp %div3A_120 : vector<16xf32>
    %swap3A_122 = arith.constant 64 : index
    %swap3A_123 = tpu.vector_load %arg12[%swap3A_122] {strides = array<i32>} : memref<128xf32, #tpu.memory_space<vmem>>, vector<16xf32>,
    tpu.vector_store %arg12[%swap3A_122], %exp3A_121 {strides = array<i32>} : memref<128xf32, #tpu.memory_space<vmem>>, vector<16xf32>,
    %get3A_124 = arith.constant 80 : index
    %get3A_125 = tpu.vector_load %arg13[%get3A_124] {strides = array<i32>} : memref<128xf32, #tpu.memory_space<vmem>>, vector<16xf32>,
    %get3A_126 = arith.constant 80 : index
    %get3A_127 = tpu.vector_load %arg14[%get3A_126] {strides = array<i32>} : memref<128xi32, #tpu.memory_space<vmem>>, vector<16xi32>,
    %convert_element_type3A_128 = arith.sitofp %get3A_127 : vector<16xi32> to vector<16xf32>
    %max3A_129 = arith.constant 1.000000e+00 : f32
    %max3A_130 = vector.broadcast %max3A_129 : f32 to vector<16xf32>
    %max3A_131 = arith.maximumf %convert_element_type3A_128, %max3A_130 : vector<16xf32>
    %div3A_132 = arith.divf %get3A_125, %max3A_131 : vector<16xf32>
    %exp3A_133 = math.exp %div3A_132 : vector<16xf32>
    %swap3A_134 = arith.constant 80 : index
    %swap3A_135 = tpu.vector_load %arg12[%swap3A_134] {strides = array<i32>} : memref<128xf32, #tpu.memory_space<vmem>>, vector<16xf32>,
    tpu.vector_store %arg12[%swap3A_134], %exp3A_133 {strides = array<i32>} : memref<128xf32, #tpu.memory_space<vmem>>, vector<16xf32>,
    %get3A_136 = arith.constant 96 : index
    %get3A_137 = tpu.vector_load %arg13[%get3A_136] {strides = array<i32>} : memref<128xf32, #tpu.memory_space<vmem>>, vector<16xf32>,
    %get3A_138 = arith.constant 96 : index
    %get3A_139 = tpu.vector_load %arg14[%get3A_138] {strides = array<i32>} : memref<128xi32, #tpu.memory_space<vmem>>, vector<16xi32>,
    %convert_element_type3A_140 = arith.sitofp %get3A_139 : vector<16xi32> to vector<16xf32>
    %max3A_141 = arith.constant 1.000000e+00 : f32
    %max3A_142 = vector.broadcast %max3A_141 : f32 to vector<16xf32>
    %max3A_143 = arith.maximumf %convert_element_type3A_140, %max3A_142 : vector<16xf32>
    %div3A_144 = arith.divf %get3A_137, %max3A_143 : vector<16xf32>
    %exp3A_145 = math.exp %div3A_144 : vector<16xf32>
    %swap3A_146 = arith.constant 96 : index
    %swap3A_147 = tpu.vector_load %arg12[%swap3A_146] {strides = array<i32>} : memref<128xf32, #tpu.memory_space<vmem>>, vector<16xf32>,
    tpu.vector_store %arg12[%swap3A_146], %exp3A_145 {strides = array<i32>} : memref<128xf32, #tpu.memory_space<vmem>>, vector<16xf32>,
    %get3A_148 = arith.constant 112 : index
    %get3A_149 = tpu.vector_load %arg13[%get3A_148] {strides = array<i32>} : memref<128xf32, #tpu.memory_space<vmem>>, vector<16xf32>,
    %get3A_150 = arith.constant 112 : index
    %get3A_151 = tpu.vector_load %arg14[%get3A_150] {strides = array<i32>} : memref<128xi32, #tpu.memory_space<vmem>>, vector<16xi32>,
    %convert_element_type3A_152 = arith.sitofp %get3A_151 : vector<16xi32> to vector<16xf32>
    %max3A_153 = arith.constant 1.000000e+00 : f32
    %max3A_154 = vector.broadcast %max3A_153 : f32 to vector<16xf32>
    %max3A_155 = arith.maximumf %convert_element_type3A_152, %max3A_154 : vector<16xf32>
    %div3A_156 = arith.divf %get3A_149, %max3A_155 : vector<16xf32>
    %exp3A_157 = math.exp %div3A_156 : vector<16xf32>
    %swap3A_158 = arith.constant 112 : index
    %swap3A_159 = tpu.vector_load %arg12[%swap3A_158] {strides = array<i32>} : memref<128xf32, #tpu.memory_space<vmem>>, vector<16xf32>,
    tpu.vector_store %arg12[%swap3A_158], %exp3A_157 {strides = array<i32>} : memref<128xf32, #tpu.memory_space<vmem>>, vector<16xf32>,
    "tpu.region"() ({
      %run_scoped3A = tpu.sem_alloc : memref<!tpu.dma_semaphore, #tpu.memory_space<semaphore_mem>>
      %dma_start3A_160 = tpu.memref_slice %arg5[%mul3A_2] : memref<4096xf32, #tpu.memory_space<hbm>> -> memref<128xf32, #tpu.memory_space<hbm>>
      %dma_start3A_161 = tpu.memref_slice %arg5[%mul3A_2] : memref<4096xf32, #tpu.memory_space<hbm>> -> memref<128xf32, #tpu.memory_space<hbm>>
      tpu.enqueue_dma source(%arg12 : memref<128xf32, #tpu.memory_space<vmem>>) target(%dma_start3A_161 : memref<128xf32, #tpu.memory_space<hbm>>) target_semaphore(%run_scoped3A : memref<!tpu.dma_semaphore, #tpu.memory_space<semaphore_mem>>)
      %dma_wait3A_162 = tpu.memref_slice %arg5[%mul3A_2] : memref<4096xf32, #tpu.memory_space<hbm>> -> memref<128xf32, #tpu.memory_space<hbm>>
      %dma_wait3A_163 = tpu.memref_slice %arg5[%mul3A_2] : memref<4096xf32, #tpu.memory_space<hbm>> -> memref<128xf32, #tpu.memory_space<hbm>>
      tpu.wait_dma2 semaphore(%run_scoped3A : memref<!tpu.dma_semaphore, #tpu.memory_space<semaphore_mem>>) src(%arg12 : memref<128xf32, #tpu.memory_space<vmem>>) dst(%dma_wait3A_163 : memref<128xf32, #tpu.memory_space<hbm>>)
      tpu.yield
    }) : () -> ()
    return
  }
}

</mosaic_0001>

<sc_bundles>
// kernel: kernel.3.cloned.1.call-start
scs
__scs_entry_jumppad:
0x0: {  	(pc) =	sbr.rel $0x88, $3  }
0x1: {  	(tag) =	ssettag $0x0;
	lr =	simm.s32 $0x1  }
0x2: {  	[smem:$0x3F9D] =	sst lr;
	_ =	strace $0xD0000000  }
0x3: {  	_ = 	snop  }
0x4: {  	_ = 	snop  }
0x5: {  	_ = 	snop  }
0x6: {  	_ = 	snop  }
0x7: {  	_ = 	snop  }
__scs_overlays_trampoline_lowered:
0x8: {  	[smem:$0x3FAC] =	sst s0  }
0x9: {  	[smem:$0x3FAD] =	sst s1  }
0xa: {  	[smem:$0x3FAE] =	sst s2  }
0xb: {  	[smem:$0x3FAF] =	sst s3  }
0xc: {  	[smem:$0x3FB0] =	sst s4  }
0xd: {  	[smem:$0x3FB1] =	sst s5  }
0xe: {  	[smem:$0x3FB2] =	sst s6  }
0xf: {  	[smem:$0x3FB3] =	sst s7  }
0x10: {  	[smem:$0x3FB4] =	sst s8  }
0x11: {  	[smem:$0x3FB5] =	sst s9;
	s0 =	simm.s32 @!p0 $0x0  }
0x12: {  	s1 =	sld [smem:$0x3F9B];
	s0 =	simm.s32 @p0 $0x1  }
0x13: {  	[smem:$0x3FB6] =	sst s0;
	s0 =	simm.s32 @!p1 $0x0  }
0x14: {  	s2 =	sld [smem:$0x3F9A];
	s0 =	simm.s32 @p1 $0x1  }
0x15: {  	[smem:$0x3FB7] =	sst s0;
	s0 =	simm.s32 @!p2 $0x0  }
0x16: {  	s3 =	sld [smem:$0x3FDB];
	s0 =	simm.s32 @p2 $0x1  }
0x17: {  	s4 =	simm.s32 $0x1BF5;
	[smem:$0x3FB9] =	sst s0  }
0x18: {  	s0 =	sld [smem:$0x3F9C];
	_ =	swait.ge [sflag:s4], $0x0  }
0x19: {  	s7 =	sld [smem:$0x3F9D]  }
0x1a: {  	s8 =	sadd.s32 $0xFFFFE003, lr  }
0x1b: {  	s9 =	sadd.s32 $0xFFFFFEF7, lr;
	s5 =	simm.s32 $0xFFFFFFFF;
	p2 =	slt.u32 s8, $0xFFFFF086  }
0x1c: {  	p1 =	slt.u32 s9, $0xF7A;
	s5 =	simm.s32 @!p2 $0x0  }
0x1d: {  	s5 =	simm.s32 @p1 $0x1;
	p0 =	seq.s32 s7, s2  }
0x1e: {  	s7 =	smul.u32 @!p0 $0xF7A, s2;
	p2 =	seq.s32 @!p0 s5, $0x0  }
0x1f: {  	s9 =	smul.u32 $0xF7A, s1;
	s8 =	simm.s32 @!p0 $0x1BF5;
	p2 =	por !p2, p0  }
0x20: {  	[sflag:s8] =	ssyncset.s32 @!p0 $0xFFFFF086;
	s6 =	sadd.s32 @!p0 s3, s7;
	s7 =	simm.s32 @!p0 $0x108  }
0x21: {  	s3 =	sadd.s32 s3, s9;
	s6 =	sadd.s32 @!p0 $0x88, s6;
	s7 =	simm.s32 @p2 $0x1082  }
0x22: {  	[simem:s7], [sflag:s8] =	dma.local @!p0 [hbm:s6], $0xF7A  }
0x23: {  	s9 =	sor.u32 $0xD0000000, s2;
	s6 =	simm.s32 $0x108;
	_ =	swait.ge @!p0 [sflag:s8], $0x0  }
0x24: {  	s3 =	sadd.s32 $0x88, s3;
	s6 =	simm.s32 @!p1 $0x1082;
	[sflag:s4] =	ssyncset.s32 $0xFFFFF086  }
0x25: {  	[simem:s6], [sflag:s4] =	dma.local [hbm:s3], $0xF7A  }
0x26: {  	[smem:$0x3F9D] =	sst s1;
	(tag) =	ssettag s2;
	_ =	strace s9  }
0x27: {  	s1 =	sld [smem:$0x3FAD]  }
0x28: {  	s2 =	sld [smem:$0x3FAE]  }
0x29: {  	s4 =	sld [smem:$0x3FB0]  }
0x2a: {  	p0 =	seq.s32 s5, $0x0;
	s5 =	sld [smem:$0x3FB1]  }
0x2b: {  	s6 =	sld [smem:$0x3FB2]  }
0x2c: {  	s7 =	sld [smem:$0x3FB3]  }
0x2d: {  	s3 =	simm.s32 $0x108;
	s8 =	sld [smem:$0x3FB4]  }
0x2e: {  	s3 =	simm.s32 @!p0 $0x1082;
	s9 =	sld [smem:$0x3FB5]  }
0x2f: {  	lr =	sadd.s32 s0, s3;
	s0 =	sld [smem:$0x3FAC]  }
0x30: {  	s3 =	sld [smem:$0x3FAF]  }
0x31: {  	[smem:$0x3FB8] =	sst s10  }
0x32: {  	s10 =	sld [smem:$0x3FB6];
	_ =	sdelay $0x3  }
0x33: {  	p0 =	seq.s32 s10, $0x1;
	s10 =	sld [smem:$0x3FB8];
	_ =	sdelay $0x3  }
0x34: {  	[smem:$0x3FB8] =	sst s10  }
0x35: {  	s10 =	sld [smem:$0x3FB7];
	_ =	sdelay $0x3  }
0x36: {  	p1 =	seq.s32 s10, $0x1;
	s10 =	sld [smem:$0x3FB8];
	_ =	sdelay $0x3  }
0x37: {  	[smem:$0x3FB8] =	sst s10  }
0x38: {  	s10 =	sld [smem:$0x3FB9]  }
0x39: {  	_ = 	snop;
	(pc) =	sbr.ind lr, $3  }
0x3a: {  	_ = 	snop  }
0x3b: {  	_ = 	snop  }
0x3c: {  	p2 =	seq.s32 s10, $0x1;
	s10 =	sld [smem:$0x3FB8]  }
0x3d: {  	_ =	shalt  }
0x3e: {  	_ =	shalt  }
0x3f: {  	_ =	shalt  }
0x40: {  	_ =	shalt  }
0x41: {  	_ =	shalt  }
0x42: {  	_ =	shalt  }
0x43: {  	_ =	shalt  }
0x44: {  	_ =	shalt  }
0x45: {  	_ =	shalt  }
0x46: {  	_ =	shalt  }
0x47: {  	_ =	shalt  }
0x48: {  	_ =	shalt  }
0x49: {  	_ =	shalt  }
0x4a: {  	_ =	shalt  }
0x4b: {  	_ =	shalt  }
0x4c: {  	_ =	shalt  }
0x4d: {  	_ =	shalt  }
0x4e: {  	_ =	shalt  }
0x4f: {  	_ =	shalt  }
0x50: {  	_ =	shalt  }
0x51: {  	_ =	shalt  }
0x52: {  	_ =	shalt  }
0x53: {  	_ =	shalt  }
0x54: {  	_ =	shalt  }
0x55: {  	_ =	shalt  }
0x56: {  	_ =	shalt  }
0x57: {  	_ =	shalt  }
0x58: {  	_ =	shalt  }
0x59: {  	_ =	shalt  }
0x5a: {  	_ =	shalt  }
0x5b: {  	_ =	shalt  }
0x5c: {  	_ =	shalt  }
0x5d: {  	_ =	shalt  }
0x5e: {  	_ =	shalt  }
0x5f: {  	_ =	shalt  }
0x60: {  	_ =	shalt  }
0x61: {  	_ =	shalt  }
0x62: {  	_ =	shalt  }
0x63: {  	_ =	shalt  }
0x64: {  	_ =	shalt  }
0x65: {  	_ =	shalt  }
0x66: {  	_ =	shalt  }
0x67: {  	_ =	shalt  }
0x68: {  	_ =	shalt  }
0x69: {  	_ =	shalt  }
0x6a: {  	_ =	shalt  }
0x6b: {  	_ =	shalt  }
0x6c: {  	_ =	shalt  }
0x6d: {  	_ =	shalt  }
0x6e: {  	_ =	shalt  }
0x6f: {  	_ =	shalt  }
0x70: {  	_ =	shalt  }
0x71: {  	_ =	shalt  }
0x72: {  	_ =	shalt  }
0x73: {  	_ =	shalt  }
0x74: {  	_ =	shalt  }
0x75: {  	_ =	shalt  }
0x76: {  	_ =	shalt  }
0x77: {  	_ =	shalt  }
0x78: {  	_ =	shalt  }
0x79: {  	_ =	shalt  }
0x7a: {  	_ =	shalt  }
0x7b: {  	_ =	shalt  }
0x7c: {  	_ =	shalt  }
0x7d: {  	_ =	shalt  }
0x7e: {  	_ =	shalt  }
0x7f: {  	_ =	shalt  }
0x80: {  	_ =	shalt  }
0x81: {  	_ =	shalt  }
0x82: {  	_ =	shalt  }
0x83: {  	_ =	shalt  }
0x84: {  	_ =	shalt  }
0x85: {  	_ =	shalt  }
0x86: {  	_ =	shalt  }
0x87: {  	_ =	shalt  }
.Lfunc_end0:
.L_simem_size_0:
called_computation_lowered:
.L_overlay_start_0:
0x88: {  	s2 =	sld [smem:$0x3FD9]  }
0x89: {  	s3 =	sld [smem:$0x3FFE];
	_ =	sdelay $0x1  }
0x8a: {  	s1 =	srdreg.scid  }
0x8b: {  	s0 =	sand.u32 $0x1, s1  }
0x8c: {  	s17 =	sshll.u32 s0, $0xA;
	s2 =	sadd.s32 s3, s2  }
0x8d: {  	s2 =	sadd.s32 s2, s17  }
0x8e: {  	[smem:$0x3FC4] =	sst s2  }
0x8f: {  	_ = 	snop  }
0x90: {  	s2 =	sld [smem:$0x3FC8]  }
0x91: {  	s18 =	sld [smem:$0x3FD0];
	(tm) =	ssettm $0x1  }
0x92: {  	s4 =	sld [smem:$0x3FFB];
	_ =	sdelay $0x3  }
0x93: {  	_ =	strace s4  }
0x94: {  	s4 =	sld [smem:$0x3FFC];
	_ =	sdelay $0x3  }
0x95: {  	_ =	strace s4  }
0x96: {  	s4 =	sld [smem:$0x3FFD];
	_ =	sdelay $0x3  }
0x97: {  	_ =	strace s4  }
0x98: {  	_ =	strace $0x8FFFFFFF  }
0x99: {  	s19 =	sld [smem:$0x3FDB];
	_ =	sdelay $0x1  }
0x9a: {  	s5 =	simm.s32 $_scs_section_size  }
0x9b: {  	s6 =	simm.s32 $_size__tile_overlayer_lowered;
	s7 =	simm.s32 $_tile_overlayer_lowered  }
0x9c: {  	s22 =	simm.s32 $0x1BFF;
	s21 =	sshll.u32 s7, $0x1;
	s4 =	sadd.s32 s5, s19  }
0x9d: {  	s8 =	simm.s32 $0x0;
	s20 =	sshll.u32 s6, $0x1;
	s6 =	sadd.s32 s21, s4  }
0x9e: {  	[timem:s8], [sflag:s22] =	dma.local [hbm:s6], s20  }
0x9f: {  	_ =	swait.ge [sflag:s22], s20  }
0xa0: {  	s5 =	ssub.s32 $0x0, s20;
	[sflag:s22] =	ssyncset.done $0x0  }
0xa1: {  	[sflag:s22] =	ssyncadd.s32 s5;
	_ =	sdelay $0x1  }
0xa2: {  	s23 =	simm.s32 $0x1B8B  }
0xa3: {  	_ =	swait.ge [sflag:s23], $0x1  }
0xa4: {  	[sflag:s23] =	ssyncset.done $0x0  }
0xa5: {  	s25 =	simm.s32 $0x1B8E;
	s24 =	sld [smem:$0x3FFE];
	[sflag:s23] =	ssyncadd.s32 $0xFFFFFFFF  }
0xa6: {  	s26 =	simm.s32 $execute0_lowered;
	[smem:$0x3FD2] =	sst s25  }
0xa7: {  	s6 =	sshll.u32 s26, $0x1;
	_ =	strace $0x80000046;
	[dreg:$0x1] =	wrdreg $0xFFFFFFFF  }
0xa8: {  	s28 =	simm.s32 $_size_execute0_lowered;
	s4 =	sadd.s32 s4, s6;
	[dreg:$0x0] =	wrdreg $0x0  }
0xa9: {  	s6 =	sshll.u32 s28, $0x1;
	[dreg:$0x2] =	wrdreg s4  }
0xaa: {  	[dreg:$0x3] =	wrdreg s6  }
0xab: {  	[dreg:$0x4] =	wrdreg $0xC0  }
0xac: {  	_ =	task [dreg:s8], $0x5FFFF  }
0xad: {  	[dreg:$0x1] =	wrdreg $0xFFFFFFFF  }
0xae: {  	[dreg:$0x0] =	wrdreg $0x60  }
0xaf: {  	[dreg:$0x2] =	wrdreg s24  }
0xb0: {  	[dreg:$0x3] =	wrdreg s2  }
0xb1: {  	[dreg:$0x4] =	wrdreg s18  }
0xb2: {  	[dreg:$0x5] =	wrdreg $0x9  }
0xb3: {  	_ =	task.clear_ibuf [dreg:s8], $0x6FFFF;
	_ =	strace $0x90000046  }
0xb4: {  	s29 =	simm.s32 $0x9;
	_ =	strace $0x80000048  }
0xb5: {  	_ =	swait.ge [sflag:s29], $0x1  }
0xb6: {  	[sflag:s29] =	ssyncadd.s32 $0xFFFFFFFF  }
0xb7: {  	_ =	strace $0x90000048  }
0xb8: {  	_ =	sfence  }
0xb9: {  	s30 =	sld [smem:$0x0];
	_ =	sdelay $0x2  }
0xba: {  	s31 =	sshll.u32 s1, $0xD;
	s1 =	sshrl.u32 s1, $0x2  }
0xbb: {  	s3 =	sand.u32 $0x4000, s31;
	s1 =	sadd.s32 s1, s30  }
0xbc: {  	s0 =	sor.u32 s3, s0;
	s1 =	sshll.u32 s1, $0x11  }
0xbd: {  	s0 =	sor.u32 s1, s0  }
0xbe: {  	s0 =	sadd.s32 $0x8F2B, s0  }
0xbf: {  	[sflag:s0] =	ssyncadd.remote.s32 $0x1  }
0xc0: {  	_ =	sfence.sel $0xFFFF  }
0xc1: {  	[dreg:$0x0] =	wrdreg $0xFFFFFFFF;
	(pc) =	sbr.abs _section_cstart, $3  }
0xc2: {  	[dreg:$0x1] =	wrdreg $0xFFFFFFFF  }
0xc3: {  	_ =	task.clear_ibuf [dreg:s8], $0x2FFFF;
	_ =	strace $0x9FFFFFFF  }
0xc4: {  	(tm) =	ssettm $0x7FFFFFFF  }
0xc5: {  	_ =	shalt  }
tec
execute0_lowered:
.L_overlay_start_1:
0x0: {  	(tag) =	ssettag $0x1  }
0x1: {  	s1 =	rddreg [dreg:$0x0];
	s2 =	srdreg.scid  }
0x2: {  	s4 =	rddreg [dreg:$0x1];
	s0 =	stileid.u32  }
0x3: {  	s9 =	rddreg [dreg:$0x2];
	s11 =	simm.s32 $0x10000;
	s12 =	simm.s32 $0x5  }
0x4: {  	s13 =	simm.s32 $0x10280;
	s14 =	simm.s32 $0x4000;
	s15 =	simm.s32 $0x8000  }
0x5: {  	s16 =	simm.s32 $0xC000;
	s17 =	simm.s32 $0x1;
	s18 =	simm.s32 $0x2  }
0x6: {  	s19 =	simm.s32 $0x3;
	s20 =	simm.s32 $0x4;
	s21 =	simm.s32 $0x10380  }
0x7: {  	s22 =	simm.s32 $0x10400;
	s23 =	simm.s32 $0x10300;
	s24 =	simm.s32 $0x0  }
0x8: {  	s3 =	sand.u32 $0x1, s2;
	s5 =	sshll.u32 s0, $0x8;
	s2 =	simm.s32 $0x0  }
0x9: {  	s6 =	sshll.u32 s3, $0x7;
	[smem:$0x7FF] =	sst s2;
	s7 =	ssub.s32 $0x2, s3  }
0xa: {  	s3 =	sadd.s32 $0x400, s1;
	s5 =	sor.u32 s6, s5;
	_ =	strace $0x80000047  }
0xb: {  	s30 =	sshrl.u32 s7, $0x1;
	s6 =	sshll.u32 s5, $0x6;
	s10 =	sshrl.u32 s5, $0x3  }
0xc: {  	s31 =	ssub.s32 s7, s30;
	s8 =	sadd.s32 s6, s1;
	s4 =	sadd.s32 s4, s10  }
0xd: {  	s9 =	sadd.s32 s9, s10;
	s10 =	smax.u32 s31, $0x1;
	s5 =	sadd.s32 $0x600, s8  }
0xe: {  	vm0 =	vcmask $0x3F3C;
	s6 =	sadd.s32 $0xE00, s8;
	s7 =	sadd.s32 $0x1600, s8;
	s8 =	sadd.s32 $0x1E00, s8  }
.LBB2_1:
0xf: {  	[tilespmem:s11], [sflag:$0x5] =	stream.linear.gather [hbm4b:s3+s2], $0x280, $0x38;
	[tilespmem:$0x10480] =	vst v63  }
0x10: {  	_ =	swait.ge [sflag:s12], $0x280  }
0x11: {  	[sflag:s12] =	ssyncset.done $0x0  }
0x12: {  	[sflag:s12] =	ssyncadd.s32 $0xFFFFFD80  }
0x13: {  	[tilespmem:s13], [sflag:$0x5] =	stream.linear.gather [hbm4b:s4+s2], $0x80, $0x38;
	[tilespmem:$0x10480] =	vst v63  }
0x14: {  	_ =	swait.ge [sflag:s12], $0x80  }
0x15: {  	[sflag:s12] =	ssyncset.done $0x0  }
0x16: {  	[sflag:s12] =	ssyncadd.s32 $0xFFFFFF80  }
0x17: {  	[tilespmem:s2], [sflag:$0x1] =	stream.linear.gather [hbm4b:s5+s2], $0x4000, $0x38;
	[tilespmem:$0x10480] =	vst v63  }
0x18: {  	_ = 	snop  }
0x19: {  	[tilespmem:s14], [sflag:$0x2] =	stream.linear.gather [hbm4b:s6+s2], $0x4000, $0x38;
	[tilespmem:$0x10480] =	vst v63  }
0x1a: {  	_ = 	snop  }
0x1b: {  	[tilespmem:s15], [sflag:$0x3] =	stream.linear.gather [hbm4b:s7+s2], $0x4000, $0x38;
	[tilespmem:$0x10480] =	vst v63  }
0x1c: {  	_ = 	snop  }
0x1d: {  	[tilespmem:s16], [sflag:$0x4] =	stream.linear.gather [hbm4b:s8+s2], $0x4000, $0x38;
	[tilespmem:$0x10480] =	vst v63  }
0x1e: {  	_ =	swait.ge [sflag:s17], $0x4000  }
0x1f: {  	[sflag:s17] =	ssyncset.done $0x0  }
0x20: {  	[sflag:s17] =	ssyncadd.s32 $0xFFFFC000  }
0x21: {  	_ =	swait.ge [sflag:s18], $0x4000  }
0x22: {  	[sflag:s18] =	ssyncset.done $0x0  }
0x23: {  	[sflag:s18] =	ssyncadd.s32 $0xFFFFC000  }
0x24: {  	_ =	swait.ge [sflag:s19], $0x4000  }
0x25: {  	[sflag:s19] =	ssyncset.done $0x0  }
0x26: {  	[sflag:s19] =	ssyncadd.s32 $0xFFFFC000  }
0x27: {  	_ =	swait.ge [sflag:s20], $0x4000  }
0x28: {  	[sflag:s20] =	ssyncset.done $0x0  }
0x29: {  	s26 =	simm.s32 $0x0;
	[sflag:s20] =	ssyncadd.s32 $0xFFFFC000  }
.LBB2_2:
0x2a: {  	v0 =	vmov s26  }
0x2b: {  	s1 =	sshll.u32 s26, $0x9;
	s25 =	sshll.u32 s26, $0x7  }
0x2c: {  	s28 =	simm.s32 $0x0;
	s1 =	sand.u32 $0x3000, s1;
	s25 =	sand.u32 $0x380, s25  }
0x2d: {  	s25 =	sor.u32 s25, s1;
	s1 =	sand.u32 $0xC00, s28  }
0x2e: {  	s28 =	sand.u32 $0x70, s28;
	s1 =	sadd.s32 s1, s25  }
0x2f: {  	s1 =	sadd.s32 s28, s1;
	v1 =	vld.idx.msk [tilespmem:v0+s13+$0x0], $0xffff  }
0x30: {  	v2 =	vld [tilespmem:s1+$0x0];
	_ =	sdelay $0x3  }
0x31: {  	s1 =	simm.s32 $0x80  }
0x32: {  	s28 =	simm.s32 $0x10;
	s1 =	sand.u32 $0xC00, s1;
	v1 =	vshll.u32 v1, $0x7;
	v3 =	vand.u32 $0x7F, v2  }
0x33: {  	s28 =	sand.u32 $0x70, s28;
	s1 =	sadd.s32 s1, s25;
	v3 =	vor.u32 v1, v3  }
0x34: {  	s1 =	sadd.s32 s28, s1;
	v4 =	vshrl.u32 v2, $0x8  }
0x35: {  	v6 =	vld [tilespmem:s1+$0x0];
	v5 =	vshrl.u32 v2, $0x10;
	v4 =	vand.u32 $0x7F, v4  }
0x36: {  	v5 =	vand.u32 $0x7F, v5;
	v4 =	vor.u32 v1, v4  }
0x37: {  	v5 =	vor.u32 v1, v5  }
0x38: {  	v7 =	vshrl.u32 v2, $0x18;
	v8 =	vld.idx.msk [tilespmem:v3+s11+$0x0], $0xffff  }
0x39: {  	s1 =	simm.s32 $0x100;
	v3 =	vand.u32 $0x7F, v7  }
0x3a: {  	v9 =	vimm.f32 $0.0e+00;
	s28 =	simm.s32 $0x20;
	s1 =	sand.u32 $0xC00, s1;
	v10 =	vshrl.u32 v6, $0x8;
	v7 =	vor.u32 v1, v3  }
0x3b: {  	s28 =	sand.u32 $0x70, s28;
	v2 =	vshrl.u32 v2, $0x6;
	s1 =	sadd.s32 s1, s25;
	v10 =	vand.u32 $0x7F, v10;
	v3 =	vand.u32 $0x7F, v6;
	v4 =	vld.idx.msk [tilespmem:v4+s11+$0x0], $0xffff  }
0x3c: {  	v2 =	vand.u32 $0x1010101, v2;
	s1 =	sadd.s32 s28, s1;
	v10 =	vor.u32 v1, v10;
	v12 =	vld.idx.msk [tilespmem:v5+s11+$0x0], $0xffff;
	v11 =	vor.u32 v1, v3  }
0x3d: {  	v5 =	vimm.s32 $0x0;
	v3 =	vld [tilespmem:s1+$0x0];
	v8 =	vadd.f32 v8, v9;
	v9 =	vshrl.u32 v6, $0x10  }
0x3e: {  	v2 =	vadd.s32 v5, v2;
	v9 =	vand.u32 $0x7F, v9  }
0x3f: {  	v5 =	vshrl.u32 v6, $0x6;
	v6 =	vshrl.u32 v6, $0x18;
	v7 =	vld.idx.msk [tilespmem:v7+s11+$0x0], $0xffff;
	v9 =	vor.u32 v1, v9  }
0x40: {  	v5 =	vand.u32 $0x1010101, v5;
	v6 =	vand.u32 $0x7F, v6;
	v13 =	vadd.f32 v4, v8  }
0x41: {  	s28 =	simm.s32 $0x180;
	v2 =	vadd.s32 v2, v5;
	v5 =	vld.idx.msk [tilespmem:v11+s11+$0x0], $0xffff;
	v6 =	vor.u32 v1, v6  }
0x42: {  	s30 =	simm.s32 $0x30;
	s29 =	simm.s32 $0x40;
	s31 =	sand.u32 $0xC00, s28;
	v4 =	vshrl.u32 v3, $0x6;
	v11 =	vand.u32 $0x7F, v3;
	v8 =	vld.idx.msk [tilespmem:v10+s11+$0x0], $0xffff;
	v10 =	vadd.f32 v12, v13  }
.LBB2_3:
0x43: {  	p0 =	sne.s32 s29, $0x1F0;
	s1 =	sand.u32 $0x70, s30;
	s30 =	sadd.s32 s31, s25;
	v4 =	vand.u32 $0x1010101, v4;
	v11 =	vor.u32 v1, v11;
	v12 =	vshrl.u32 v3, $0x8  }
0x44: {  	s1 =	sadd.s32 s1, s30;
	v2 =	vadd.s32 v2, v4;
	v4 =	vand.u32 $0x7F, v12;
	v12 =	vld.idx.msk [tilespmem:v9+s11+$0x0], $0xffff;
	v7 =	vadd.f32 v7, v10;
	s30 =	smov.u32 s29  }
0x45: {  	v13 =	vld [tilespmem:s1+$0x0];
	v10 =	vor.u32 v1, v4;
	v4 =	vshrl.u32 v3, $0x10  }
.Ltmp0:
0x46: {  	v4 =	vand.u32 $0x7F, v4;
	v14 =	vadd.f32 v5, v7;
	v7 =	vld.idx.msk [tilespmem:v6+s11+$0x0], $0xffff;
	(pc) =	sbr.rel @p0 .LBB2_3-.Ltmp0, $4  }
0x47: {  	v3 =	vshrl.u32 v3, $0x18;
	v9 =	vor.u32 v1, v4  }
0x48: {  	v15 =	vand.u32 $0x7F, v3;
	v5 =	vld.idx.msk [tilespmem:v11+s11+$0x0], $0xffff;
	v14 =	vadd.f32 v8, v14  }
0x49: {  	s28 =	sadd.s32 $0x80, s28;
	v6 =	vor.u32 v1, v15  }
0x4a: {  	s31 =	sand.u32 $0xC00, s28;
	s29 =	sadd.s32 $0x10, s29;
	v4 =	vshrl.u32 v13, $0x6;
	v11 =	vand.u32 $0x7F, v13;
	v8 =	vld.idx.msk [tilespmem:v10+s11+$0x0], $0xffff;
	v10 =	vadd.f32 v12, v14;
	v3 =	vmovc v13  }
0x4b: {  	_ =	sdelay $0x2  }
0x4c: {  	s1 =	sand.u32 $0x70, s30;
	s25 =	sadd.s32 s31, s25;
	v11 =	vor.u32 v1, v11;
	v12 =	vshrl.u32 v3, $0x8;
	v7 =	vadd.f32 v7, v10  }
0x4d: {  	v9 =	vld.idx.msk [tilespmem:v9+s11+$0x0], $0xffff;
	s1 =	sadd.s32 s1, s25;
	v44 =	vand.u32 $0x7F, v12  }
0x4e: {  	v46 =	vshrl.u32 v3, $0x10;
	v45 =	vld [tilespmem:s1+$0x0];
	v10 =	vor.u32 v1, v44;
	v5 =	vadd.f32 v5, v7  }
0x4f: {  	v6 =	vld.idx.msk [tilespmem:v6+s11+$0x0], $0xffff;
	v7 =	vand.u32 $0x7F, v46  }
0x50: {  	v47 =	vshrl.u32 v3, $0x18;
	v7 =	vor.u32 v1, v7;
	v5 =	vadd.f32 v8, v5  }
0x51: {  	v3 =	vand.u32 $0x7F, v47;
	v48 =	vld.idx.msk [tilespmem:v11+s11+$0x0], $0xffff  }
0x52: {  	v3 =	vor.u32 v1, v3;
	v5 =	vadd.f32 v9, v5  }
0x53: {  	v49 =	vand.u32 $0x7F, v45;
	v10 =	vld.idx.msk [tilespmem:v10+s11+$0x0], $0xffff  }
0x54: {  	v50 =	vshrl.u32 v45, $0x8;
	v9 =	vor.u32 v1, v49;
	v5 =	vadd.f32 v6, v5  }
0x55: {  	v51 =	vand.u32 $0x7F, v50;
	v7 =	vld.idx.msk [tilespmem:v7+s11+$0x0], $0xffff  }
0x56: {  	v52 =	vshrl.u32 v45, $0x10;
	v6 =	vor.u32 v1, v51;
	v5 =	vadd.f32 v48, v5  }
0x57: {  	v3 =	vld.idx.msk [tilespmem:v3+s11+$0x0], $0xffff;
	v53 =	vand.u32 $0x7F, v52  }
0x58: {  	v54 =	vshrl.u32 v45, $0x18;
	v8 =	vor.u32 v1, v53;
	v5 =	vadd.f32 v10, v5  }
0x59: {  	v55 =	vand.u32 $0x7F, v54;
	v9 =	vld.idx.msk [tilespmem:v9+s11+$0x0], $0xffff  }
0x5a: {  	v56 =	vor.u32 v1, v55;
	v5 =	vadd.f32 v7, v5  }
0x5b: {  	v6 =	vld.idx.msk [tilespmem:v6+s11+$0x0], $0xffff  }
0x5c: {  	v3 =	vadd.f32 v3, v5  }
0x5d: {  	v57 =	vld.idx.msk [tilespmem:v8+s11+$0x0], $0xffff  }
0x5e: {  	v3 =	vadd.f32 v9, v3  }
0x5f: {  	v1 =	vld.idx.msk [tilespmem:v56+s11+$0x0], $0xffff  }
0x60: {  	v3 =	vadd.f32 v6, v3;
	_ =	sdelay $0x1  }
0x61: {  	v3 =	vadd.f32 v57, v3;
	_ =	sdelay $0x1  }
0x62: {  	v4 =	vand.u32 $0x1010101, v4;
	v58 =	vshrl.u32 v45, $0x6;
	v1 =	vadd.f32 v1, v3  }
0x63: {  	v2 =	vadd.s32 v2, v4;
	v59 =	vand.u32 $0x1010101, v58  }
0x64: {  	v2 =	vadd.s32 v2, v59;
	(xrf2) =	vadd.scan.msk.f32 $0xffff, v1  }
0x65: {  	v60 =	vand.u32 $0xFF, v2;
	v61 =	vshra.s32 v2, $0x18;
	v3 =	vshrl.u32 v2, $0x8  }
0x66: {  	v2 =	vshrl.u32 v2, $0x10;
	v3 =	vand.u32 $0xFF, v3;
	v1 =	vadd.s32 v60, v61  }
0x67: {  	v2 =	vand.u32 $0xFF, v2;
	v1 =	vadd.s32 v3, v1  }
0x68: {  	v1 =	vadd.s32 v2, v1  }
0x69: {  	(xrf0) =	vadd.scan.msk.s32 $0xffff, v1  }
0x6a: {  	s26 =	sadd.s32 $0x1, s26  }
0x6b: {  	p0 =	sne.s32 s26, $0x20  }
.Ltmp1:
0x6c: {  	_ = 	snop;
	(pc) =	sbr.rel @p0 .LBB2_2-.Ltmp1, $4  }
0x6d: {  	_ = 	snop  }
0x6e: {  	v62, _, _ =	vpop (xrf2)  }
0x6f: {  	v63, _, _ =	vpop (xrf0);
	[tilespmem:v0+s21+$0x0] =	vst.idx.msk vm0, v62  }
0x70: {  	s25 =	simm.s32 $0x0;
	[tilespmem:v0+s22+$0x0] =	vst.idx.msk vm0, v63  }
0x71: {  	s28 =	simm.s32 $0x0  }
.LBB2_6:
0x72: {  	s1 =	sor.u32 $0x20, s28  }
0x73: {  	s26 =	sshll.u32 s28, $0x7;
	v0 =	vmov s1;
	s1 =	sshll.u32 s28, $0x9  }
0x74: {  	s26 =	sand.u32 $0x380, s26;
	s1 =	sand.u32 $0x3000, s1  }
0x75: {  	s1 =	sor.u32 s26, s1  }
0x76: {  	s26 =	sor.u32 $0x4000, s1;
	s1 =	sand.u32 $0xC00, s25  }
0x77: {  	s29 =	sand.u32 $0x70, s25;
	s1 =	sadd.s32 s1, s26  }
0x78: {  	v1 =	vld.idx.msk [tilespmem:v0+s13+$0x0], $0xffff;
	s1 =	sadd.s32 s29, s1  }
0x79: {  	v2 =	vld [tilespmem:s1+$0x0];
	_ =	sdelay $0x3  }
0x7a: {  	s1 =	simm.s32 $0x80  }
0x7b: {  	s29 =	simm.s32 $0x10;
	s1 =	sand.u32 $0xC00, s1;
	v1 =	vshll.u32 v1, $0x7;
	v3 =	vand.u32 $0x7F, v2  }
0x7c: {  	s29 =	sand.u32 $0x70, s29;
	s1 =	sadd.s32 s1, s26;
	v3 =	vor.u32 v1, v3  }
0x7d: {  	s1 =	sadd.s32 s29, s1;
	v4 =	vshrl.u32 v2, $0x8  }
0x7e: {  	v6 =	vld [tilespmem:s1+$0x0];
	v5 =	vshrl.u32 v2, $0x10;
	v4 =	vand.u32 $0x7F, v4  }
0x7f: {  	v5 =	vand.u32 $0x7F, v5;
	v4 =	vor.u32 v1, v4  }
0x80: {  	v5 =	vor.u32 v1, v5  }
0x81: {  	v7 =	vshrl.u32 v2, $0x18;
	v8 =	vld.idx.msk [tilespmem:v3+s11+$0x0], $0xffff  }
0x82: {  	s1 =	simm.s32 $0x100;
	v3 =	vand.u32 $0x7F, v7  }
0x83: {  	v9 =	vimm.f32 $0.0e+00;
	s29 =	simm.s32 $0x20;
	s1 =	sand.u32 $0xC00, s1;
	v10 =	vshrl.u32 v6, $0x8;
	v7 =	vor.u32 v1, v3  }
0x84: {  	s29 =	sand.u32 $0x70, s29;
	v2 =	vshrl.u32 v2, $0x6;
	s1 =	sadd.s32 s1, s26;
	v10 =	vand.u32 $0x7F, v10;
	v3 =	vand.u32 $0x7F, v6;
	v4 =	vld.idx.msk [tilespmem:v4+s11+$0x0], $0xffff  }
0x85: {  	v2 =	vand.u32 $0x1010101, v2;
	s1 =	sadd.s32 s29, s1;
	v10 =	vor.u32 v1, v10;
	v12 =	vld.idx.msk [tilespmem:v5+s11+$0x0], $0xffff;
	v11 =	vor.u32 v1, v3  }
0x86: {  	v5 =	vimm.s32 $0x0;
	v3 =	vld [tilespmem:s1+$0x0];
	v8 =	vadd.f32 v8, v9;
	v9 =	vshrl.u32 v6, $0x10  }
0x87: {  	v2 =	vadd.s32 v5, v2;
	v9 =	vand.u32 $0x7F, v9  }
0x88: {  	v5 =	vshrl.u32 v6, $0x6;
	v6 =	vshrl.u32 v6, $0x18;
	v7 =	vld.idx.msk [tilespmem:v7+s11+$0x0], $0xffff;
	v9 =	vor.u32 v1, v9  }
0x89: {  	v5 =	vand.u32 $0x1010101, v5;
	v6 =	vand.u32 $0x7F, v6;
	v13 =	vadd.f32 v4, v8  }
0x8a: {  	s29 =	simm.s32 $0x180;
	v2 =	vadd.s32 v2, v5;
	v5 =	vld.idx.msk [tilespmem:v11+s11+$0x0], $0xffff;
	v6 =	vor.u32 v1, v6  }
0x8b: {  	s31 =	simm.s32 $0x30;
	s30 =	simm.s32 $0x40;
	s1 =	sand.u32 $0xC00, s29;
	v4 =	vshrl.u32 v3, $0x6;
	v11 =	vand.u32 $0x7F, v3;
	v8 =	vld.idx.msk [tilespmem:v10+s11+$0x0], $0xffff;
	v10 =	vadd.f32 v12, v13  }
.LBB2_7:
0x8c: {  	p0 =	sne.s32 s30, $0x1F0;
	s31 =	sand.u32 $0x70, s31;
	s1 =	sadd.s32 s1, s26;
	v4 =	vand.u32 $0x1010101, v4;
	v11 =	vor.u32 v1, v11;
	v12 =	vshrl.u32 v3, $0x8  }
0x8d: {  	s1 =	sadd.s32 s31, s1;
	v2 =	vadd.s32 v2, v4;
	v4 =	vand.u32 $0x7F, v12;
	v12 =	vld.idx.msk [tilespmem:v9+s11+$0x0], $0xffff;
	v7 =	vadd.f32 v7, v10;
	s31 =	smov.u32 s30  }
0x8e: {  	v13 =	vld [tilespmem:s1+$0x0];
	v10 =	vor.u32 v1, v4;
	v4 =	vshrl.u32 v3, $0x10  }
.Ltmp2:
0x8f: {  	v4 =	vand.u32 $0x7F, v4;
	v14 =	vadd.f32 v5, v7;
	v7 =	vld.idx.msk [tilespmem:v6+s11+$0x0], $0xffff;
	(pc) =	sbr.rel @p0 .LBB2_7-.Ltmp2, $4  }
0x90: {  	v3 =	vshrl.u32 v3, $0x18;
	v9 =	vor.u32 v1, v4  }
0x91: {  	v15 =	vand.u32 $0x7F, v3;
	v5 =	vld.idx.msk [tilespmem:v11+s11+$0x0], $0xffff;
	v14 =	vadd.f32 v8, v14  }
0x92: {  	s29 =	sadd.s32 $0x80, s29;
	v6 =	vor.u32 v1, v15  }
0x93: {  	s30 =	sadd.s32 $0x10, s30;
	s1 =	sand.u32 $0xC00, s29;
	v4 =	vshrl.u32 v13, $0x6;
	v11 =	vand.u32 $0x7F, v13;
	v8 =	vld.idx.msk [tilespmem:v10+s11+$0x0], $0xffff;
	v10 =	vadd.f32 v12, v14;
	v3 =	vmovc v13  }
0x94: {  	_ =	sdelay $0x2  }
0x95: {  	s29 =	sand.u32 $0x70, s31;
	s1 =	sadd.s32 s1, s26;
	v11 =	vor.u32 v1, v11;
	v12 =	vshrl.u32 v3, $0x8;
	v7 =	vadd.f32 v7, v10  }
0x96: {  	v9 =	vld.idx.msk [tilespmem:v9+s11+$0x0], $0xffff;
	s1 =	sadd.s32 s29, s1;
	v44 =	vand.u32 $0x7F, v12  }
0x97: {  	v46 =	vshrl.u32 v3, $0x10;
	v45 =	vld [tilespmem:s1+$0x0];
	v10 =	vor.u32 v1, v44;
	v5 =	vadd.f32 v5, v7  }
0x98: {  	v6 =	vld.idx.msk [tilespmem:v6+s11+$0x0], $0xffff;
	v7 =	vand.u32 $0x7F, v46  }
0x99: {  	v47 =	vshrl.u32 v3, $0x18;
	v7 =	vor.u32 v1, v7;
	v5 =	vadd.f32 v8, v5  }
0x9a: {  	v3 =	vand.u32 $0x7F, v47;
	v48 =	vld.idx.msk [tilespmem:v11+s11+$0x0], $0xffff  }
0x9b: {  	v3 =	vor.u32 v1, v3;
	v5 =	vadd.f32 v9, v5  }
0x9c: {  	v49 =	vand.u32 $0x7F, v45;
	v10 =	vld.idx.msk [tilespmem:v10+s11+$0x0], $0xffff  }
0x9d: {  	v50 =	vshrl.u32 v45, $0x8;
	v9 =	vor.u32 v1, v49;
	v5 =	vadd.f32 v6, v5  }
0x9e: {  	v51 =	vand.u32 $0x7F, v50;
	v7 =	vld.idx.msk [tilespmem:v7+s11+$0x0], $0xffff  }
0x9f: {  	v52 =	vshrl.u32 v45, $0x10;
	v6 =	vor.u32 v1, v51;
	v5 =	vadd.f32 v48, v5  }
0xa0: {  	v3 =	vld.idx.msk [tilespmem:v3+s11+$0x0], $0xffff;
	v53 =	vand.u32 $0x7F, v52  }
0xa1: {  	v54 =	vshrl.u32 v45, $0x18;
	v8 =	vor.u32 v1, v53;
	v5 =	vadd.f32 v10, v5  }
0xa2: {  	v55 =	vand.u32 $0x7F, v54;
	v9 =	vld.idx.msk [tilespmem:v9+s11+$0x0], $0xffff  }
0xa3: {  	v56 =	vor.u32 v1, v55;
	v5 =	vadd.f32 v7, v5  }
0xa4: {  	v6 =	vld.idx.msk [tilespmem:v6+s11+$0x0], $0xffff  }
0xa5: {  	v3 =	vadd.f32 v3, v5  }
0xa6: {  	v57 =	vld.idx.msk [tilespmem:v8+s11+$0x0], $0xffff  }
0xa7: {  	v3 =	vadd.f32 v9, v3  }
0xa8: {  	v1 =	vld.idx.msk [tilespmem:v56+s11+$0x0], $0xffff  }
0xa9: {  	v3 =	vadd.f32 v6, v3;
	_ =	sdelay $0x1  }
0xaa: {  	v3 =	vadd.f32 v57, v3;
	_ =	sdelay $0x1  }
0xab: {  	v4 =	vand.u32 $0x1010101, v4;
	v58 =	vshrl.u32 v45, $0x6;
	v1 =	vadd.f32 v1, v3  }
0xac: {  	v2 =	vadd.s32 v2, v4;
	v59 =	vand.u32 $0x1010101, v58  }
0xad: {  	v2 =	vadd.s32 v2, v59;
	(xrf2) =	vadd.scan.msk.f32 $0xffff, v1  }
0xae: {  	v60 =	vand.u32 $0xFF, v2;
	v61 =	vshra.s32 v2, $0x18;
	v3 =	vshrl.u32 v2, $0x8  }
0xaf: {  	v2 =	vshrl.u32 v2, $0x10;
	v3 =	vand.u32 $0xFF, v3;
	v1 =	vadd.s32 v60, v61  }
0xb0: {  	v2 =	vand.u32 $0xFF, v2;
	v1 =	vadd.s32 v3, v1  }
0xb1: {  	v1 =	vadd.s32 v2, v1  }
0xb2: {  	(xrf0) =	vadd.scan.msk.s32 $0xffff, v1  }
0xb3: {  	s28 =	sadd.s32 $0x1, s28  }
0xb4: {  	p0 =	sne.s32 s28, $0x20  }
.Ltmp3:
0xb5: {  	_ = 	snop;
	(pc) =	sbr.rel @p0 .LBB2_6-.Ltmp3, $4  }
0xb6: {  	_ = 	snop  }
0xb7: {  	v62, _, _ =	vpop (xrf2)  }
0xb8: {  	v63, _, _ =	vpop (xrf0);
	[tilespmem:v0+s21+$0x0] =	vst.idx.msk vm0, v62  }
0xb9: {  	s26 =	simm.s32 $0x0;
	[tilespmem:v0+s22+$0x0] =	vst.idx.msk vm0, v63  }
0xba: {  	s28 =	simm.s32 $0x0  }
.LBB2_10:
0xbb: {  	s1 =	sor.u32 $0x40, s28  }
0xbc: {  	s25 =	sshll.u32 s28, $0x7;
	v0 =	vmov s1;
	s1 =	sshll.u32 s28, $0x9  }
0xbd: {  	s25 =	sand.u32 $0x380, s25;
	s1 =	sand.u32 $0x3000, s1  }
0xbe: {  	s1 =	sor.u32 s25, s1  }
0xbf: {  	s25 =	sor.u32 $0x8000, s1;
	s1 =	sand.u32 $0xC00, s26  }
0xc0: {  	s29 =	sand.u32 $0x70, s26;
	s1 =	sadd.s32 s1, s25  }
0xc1: {  	v1 =	vld.idx.msk [tilespmem:v0+s13+$0x0], $0xffff;
	s1 =	sadd.s32 s29, s1  }
0xc2: {  	v2 =	vld [tilespmem:s1+$0x0];
	_ =	sdelay $0x3  }
0xc3: {  	s1 =	simm.s32 $0x80  }
0xc4: {  	s29 =	simm.s32 $0x10;
	s1 =	sand.u32 $0xC00, s1;
	v1 =	vshll.u32 v1, $0x7;
	v3 =	vand.u32 $0x7F, v2  }
0xc5: {  	s29 =	sand.u32 $0x70, s29;
	s1 =	sadd.s32 s1, s25;
	v3 =	vor.u32 v1, v3  }
0xc6: {  	s1 =	sadd.s32 s29, s1;
	v4 =	vshrl.u32 v2, $0x8  }
0xc7: {  	v6 =	vld [tilespmem:s1+$0x0];
	v5 =	vshrl.u32 v2, $0x10;
	v4 =	vand.u32 $0x7F, v4  }
0xc8: {  	v5 =	vand.u32 $0x7F, v5;
	v4 =	vor.u32 v1, v4  }
0xc9: {  	v5 =	vor.u32 v1, v5  }
0xca: {  	v7 =	vshrl.u32 v2, $0x18;
	v8 =	vld.idx.msk [tilespmem:v3+s11+$0x0], $0xffff  }
0xcb: {  	s1 =	simm.s32 $0x100;
	v3 =	vand.u32 $0x7F, v7  }
0xcc: {  	v9 =	vimm.f32 $0.0e+00;
	s29 =	simm.s32 $0x20;
	s1 =	sand.u32 $0xC00, s1;
	v10 =	vshrl.u32 v6, $0x8;
	v7 =	vor.u32 v1, v3  }
0xcd: {  	s29 =	sand.u32 $0x70, s29;
	v2 =	vshrl.u32 v2, $0x6;
	s1 =	sadd.s32 s1, s25;
	v10 =	vand.u32 $0x7F, v10;
	v3 =	vand.u32 $0x7F, v6;
	v4 =	vld.idx.msk [tilespmem:v4+s11+$0x0], $0xffff  }
0xce: {  	v2 =	vand.u32 $0x1010101, v2;
	s1 =	sadd.s32 s29, s1;
	v10 =	vor.u32 v1, v10;
	v12 =	vld.idx.msk [tilespmem:v5+s11+$0x0], $0xffff;
	v11 =	vor.u32 v1, v3  }
0xcf: {  	v5 =	vimm.s32 $0x0;
	v3 =	vld [tilespmem:s1+$0x0];
	v8 =	vadd.f32 v8, v9;
	v9 =	vshrl.u32 v6, $0x10  }
0xd0: {  	v2 =	vadd.s32 v5, v2;
	v9 =	vand.u32 $0x7F, v9  }
0xd1: {  	v5 =	vshrl.u32 v6, $0x6;
	v6 =	vshrl.u32 v6, $0x18;
	v7 =	vld.idx.msk [tilespmem:v7+s11+$0x0], $0xffff;
	v9 =	vor.u32 v1, v9  }
0xd2: {  	v5 =	vand.u32 $0x1010101, v5;
	v6 =	vand.u32 $0x7F, v6;
	v13 =	vadd.f32 v4, v8  }
0xd3: {  	s29 =	simm.s32 $0x180;
	v2 =	vadd.s32 v2, v5;
	v5 =	vld.idx.msk [tilespmem:v11+s11+$0x0], $0xffff;
	v6 =	vor.u32 v1, v6  }
0xd4: {  	s31 =	simm.s32 $0x30;
	s30 =	simm.s32 $0x40;
	s1 =	sand.u32 $0xC00, s29;
	v4 =	vshrl.u32 v3, $0x6;
	v11 =	vand.u32 $0x7F, v3;
	v8 =	vld.idx.msk [tilespmem:v10+s11+$0x0], $0xffff;
	v10 =	vadd.f32 v12, v13  }
.LBB2_11:
0xd5: {  	p0 =	sne.s32 s30, $0x1F0;
	s31 =	sand.u32 $0x70, s31;
	s1 =	sadd.s32 s1, s25;
	v4 =	vand.u32 $0x1010101, v4;
	v11 =	vor.u32 v1, v11;
	v12 =	vshrl.u32 v3, $0x8  }
0xd6: {  	s1 =	sadd.s32 s31, s1;
	v2 =	vadd.s32 v2, v4;
	v4 =	vand.u32 $0x7F, v12;
	v12 =	vld.idx.msk [tilespmem:v9+s11+$0x0], $0xffff;
	v7 =	vadd.f32 v7, v10;
	s31 =	smov.u32 s30  }
0xd7: {  	v13 =	vld [tilespmem:s1+$0x0];
	v10 =	vor.u32 v1, v4;
	v4 =	vshrl.u32 v3, $0x10  }
.Ltmp4:
0xd8: {  	v4 =	vand.u32 $0x7F, v4;
	v14 =	vadd.f32 v5, v7;
	v7 =	vld.idx.msk [tilespmem:v6+s11+$0x0], $0xffff;
	(pc) =	sbr.rel @p0 .LBB2_11-.Ltmp4, $4  }
0xd9: {  	v3 =	vshrl.u32 v3, $0x18;
	v9 =	vor.u32 v1, v4  }
0xda: {  	v15 =	vand.u32 $0x7F, v3;
	v5 =	vld.idx.msk [tilespmem:v11+s11+$0x0], $0xffff;
	v14 =	vadd.f32 v8, v14  }
0xdb: {  	s29 =	sadd.s32 $0x80, s29;
	v6 =	vor.u32 v1, v15  }
0xdc: {  	s30 =	sadd.s32 $0x10, s30;
	s1 =	sand.u32 $0xC00, s29;
	v4 =	vshrl.u32 v13, $0x6;
	v11 =	vand.u32 $0x7F, v13;
	v8 =	vld.idx.msk [tilespmem:v10+s11+$0x0], $0xffff;
	v10 =	vadd.f32 v12, v14;
	v3 =	vmovc v13  }
0xdd: {  	_ =	sdelay $0x2  }
0xde: {  	s29 =	sand.u32 $0x70, s31;
	s1 =	sadd.s32 s1, s25;
	v11 =	vor.u32 v1, v11;
	v12 =	vshrl.u32 v3, $0x8;
	v7 =	vadd.f32 v7, v10  }
0xdf: {  	v9 =	vld.idx.msk [tilespmem:v9+s11+$0x0], $0xffff;
	s1 =	sadd.s32 s29, s1;
	v44 =	vand.u32 $0x7F, v12  }
0xe0: {  	v46 =	vshrl.u32 v3, $0x10;
	v45 =	vld [tilespmem:s1+$0x0];
	v10 =	vor.u32 v1, v44;
	v5 =	vadd.f32 v5, v7  }
0xe1: {  	v6 =	vld.idx.msk [tilespmem:v6+s11+$0x0], $0xffff;
	v7 =	vand.u32 $0x7F, v46  }
0xe2: {  	v47 =	vshrl.u32 v3, $0x18;
	v7 =	vor.u32 v1, v7;
	v5 =	vadd.f32 v8, v5  }
0xe3: {  	v3 =	vand.u32 $0x7F, v47;
	v48 =	vld.idx.msk [tilespmem:v11+s11+$0x0], $0xffff  }
0xe4: {  	v3 =	vor.u32 v1, v3;
	v5 =	vadd.f32 v9, v5  }
0xe5: {  	v49 =	vand.u32 $0x7F, v45;
	v10 =	vld.idx.msk [tilespmem:v10+s11+$0x0], $0xffff  }
0xe6: {  	v50 =	vshrl.u32 v45, $0x8;
	v9 =	vor.u32 v1, v49;
	v5 =	vadd.f32 v6, v5  }
0xe7: {  	v51 =	vand.u32 $0x7F, v50;
	v7 =	vld.idx.msk [tilespmem:v7+s11+$0x0], $0xffff  }
0xe8: {  	v52 =	vshrl.u32 v45, $0x10;
	v6 =	vor.u32 v1, v51;
	v5 =	vadd.f32 v48, v5  }
0xe9: {  	v3 =	vld.idx.msk [tilespmem:v3+s11+$0x0], $0xffff;
	v53 =	vand.u32 $0x7F, v52  }
0xea: {  	v54 =	vshrl.u32 v45, $0x18;
	v8 =	vor.u32 v1, v53;
	v5 =	vadd.f32 v10, v5  }
0xeb: {  	v55 =	vand.u32 $0x7F, v54;
	v9 =	vld.idx.msk [tilespmem:v9+s11+$0x0], $0xffff  }
0xec: {  	v56 =	vor.u32 v1, v55;
	v5 =	vadd.f32 v7, v5  }
0xed: {  	v6 =	vld.idx.msk [tilespmem:v6+s11+$0x0], $0xffff  }
0xee: {  	v3 =	vadd.f32 v3, v5  }
0xef: {  	v57 =	vld.idx.msk [tilespmem:v8+s11+$0x0], $0xffff  }
0xf0: {  	v3 =	vadd.f32 v9, v3  }
0xf1: {  	v1 =	vld.idx.msk [tilespmem:v56+s11+$0x0], $0xffff  }
0xf2: {  	v3 =	vadd.f32 v6, v3;
	_ =	sdelay $0x1  }
0xf3: {  	v3 =	vadd.f32 v57, v3;
	_ =	sdelay $0x1  }
0xf4: {  	v4 =	vand.u32 $0x1010101, v4;
	v58 =	vshrl.u32 v45, $0x6;
	v1 =	vadd.f32 v1, v3  }
0xf5: {  	v2 =	vadd.s32 v2, v4;
	v59 =	vand.u32 $0x1010101, v58  }
0xf6: {  	v2 =	vadd.s32 v2, v59;
	(xrf2) =	vadd.scan.msk.f32 $0xffff, v1  }
0xf7: {  	v60 =	vand.u32 $0xFF, v2;
	v61 =	vshra.s32 v2, $0x18;
	v3 =	vshrl.u32 v2, $0x8  }
0xf8: {  	v2 =	vshrl.u32 v2, $0x10;
	v3 =	vand.u32 $0xFF, v3;
	v1 =	vadd.s32 v60, v61  }
0xf9: {  	v2 =	vand.u32 $0xFF, v2;
	v1 =	vadd.s32 v3, v1  }
0xfa: {  	v1 =	vadd.s32 v2, v1  }
0xfb: {  	(xrf0) =	vadd.scan.msk.s32 $0xffff, v1  }
0xfc: {  	s28 =	sadd.s32 $0x1, s28  }
0xfd: {  	p0 =	sne.s32 s28, $0x20  }
.Ltmp5:
0xfe: {  	_ = 	snop;
	(pc) =	sbr.rel @p0 .LBB2_10-.Ltmp5, $4  }
0xff: {  	_ = 	snop  }
0x100: {  	v62, _, _ =	vpop (xrf2)  }
0x101: {  	v63, _, _ =	vpop (xrf0);
	[tilespmem:v0+s21+$0x0] =	vst.idx.msk vm0, v62  }
0x102: {  	s25 =	simm.s32 $0x0;
	[tilespmem:v0+s22+$0x0] =	vst.idx.msk vm0, v63  }
0x103: {  	s26 =	simm.s32 $0x0  }
.LBB2_14:
0x104: {  	s1 =	sor.u32 $0x60, s26  }
0x105: {  	s28 =	sshll.u32 s26, $0x7;
	v0 =	vmov s1;
	s1 =	sshll.u32 s26, $0x9  }
0x106: {  	s28 =	sand.u32 $0x380, s28;
	s1 =	sand.u32 $0x3000, s1  }
0x107: {  	s1 =	sor.u32 s28, s1  }
0x108: {  	s28 =	sor.u32 $0xC000, s1;
	s1 =	sand.u32 $0xC00, s25  }
0x109: {  	s29 =	sand.u32 $0x70, s25;
	s1 =	sadd.s32 s1, s28  }
0x10a: {  	v1 =	vld.idx.msk [tilespmem:v0+s13+$0x0], $0xffff;
	s1 =	sadd.s32 s29, s1  }
0x10b: {  	v2 =	vld [tilespmem:s1+$0x0];
	_ =	sdelay $0x3  }
0x10c: {  	s1 =	simm.s32 $0x80  }
0x10d: {  	s29 =	simm.s32 $0x10;
	s1 =	sand.u32 $0xC00, s1;
	v1 =	vshll.u32 v1, $0x7;
	v3 =	vand.u32 $0x7F, v2  }
0x10e: {  	s29 =	sand.u32 $0x70, s29;
	s1 =	sadd.s32 s1, s28;
	v3 =	vor.u32 v1, v3  }
0x10f: {  	s1 =	sadd.s32 s29, s1;
	v4 =	vshrl.u32 v2, $0x8  }
0x110: {  	v6 =	vld [tilespmem:s1+$0x0];
	v5 =	vshrl.u32 v2, $0x10;
	v4 =	vand.u32 $0x7F, v4  }
0x111: {  	v5 =	vand.u32 $0x7F, v5;
	v4 =	vor.u32 v1, v4  }
0x112: {  	v5 =	vor.u32 v1, v5  }
0x113: {  	v7 =	vshrl.u32 v2, $0x18;
	v8 =	vld.idx.msk [tilespmem:v3+s11+$0x0], $0xffff  }
0x114: {  	s1 =	simm.s32 $0x100;
	v3 =	vand.u32 $0x7F, v7  }
0x115: {  	v9 =	vimm.f32 $0.0e+00;
	s29 =	simm.s32 $0x20;
	s1 =	sand.u32 $0xC00, s1;
	v10 =	vshrl.u32 v6, $0x8;
	v7 =	vor.u32 v1, v3  }
0x116: {  	s29 =	sand.u32 $0x70, s29;
	v2 =	vshrl.u32 v2, $0x6;
	s1 =	sadd.s32 s1, s28;
	v10 =	vand.u32 $0x7F, v10;
	v3 =	vand.u32 $0x7F, v6;
	v4 =	vld.idx.msk [tilespmem:v4+s11+$0x0], $0xffff  }
0x117: {  	v2 =	vand.u32 $0x1010101, v2;
	s1 =	sadd.s32 s29, s1;
	v10 =	vor.u32 v1, v10;
	v12 =	vld.idx.msk [tilespmem:v5+s11+$0x0], $0xffff;
	v11 =	vor.u32 v1, v3  }
0x118: {  	v5 =	vimm.s32 $0x0;
	v3 =	vld [tilespmem:s1+$0x0];
	v8 =	vadd.f32 v8, v9;
	v9 =	vshrl.u32 v6, $0x10  }
0x119: {  	v2 =	vadd.s32 v5, v2;
	v9 =	vand.u32 $0x7F, v9  }
0x11a: {  	v5 =	vshrl.u32 v6, $0x6;
	v6 =	vshrl.u32 v6, $0x18;
	v7 =	vld.idx.msk [tilespmem:v7+s11+$0x0], $0xffff;
	v9 =	vor.u32 v1, v9  }
0x11b: {  	v5 =	vand.u32 $0x1010101, v5;
	v6 =	vand.u32 $0x7F, v6;
	v13 =	vadd.f32 v4, v8  }
0x11c: {  	s29 =	simm.s32 $0x180;
	v2 =	vadd.s32 v2, v5;
	v5 =	vld.idx.msk [tilespmem:v11+s11+$0x0], $0xffff;
	v6 =	vor.u32 v1, v6  }
0x11d: {  	s31 =	simm.s32 $0x30;
	s30 =	simm.s32 $0x40;
	s1 =	sand.u32 $0xC00, s29;
	v4 =	vshrl.u32 v3, $0x6;
	v11 =	vand.u32 $0x7F, v3;
	v8 =	vld.idx.msk [tilespmem:v10+s11+$0x0], $0xffff;
	v10 =	vadd.f32 v12, v13  }
.LBB2_15:
0x11e: {  	p0 =	sne.s32 s30, $0x1F0;
	s31 =	sand.u32 $0x70, s31;
	s1 =	sadd.s32 s1, s28;
	v4 =	vand.u32 $0x1010101, v4;
	v11 =	vor.u32 v1, v11;
	v12 =	vshrl.u32 v3, $0x8  }
0x11f: {  	s1 =	sadd.s32 s31, s1;
	v2 =	vadd.s32 v2, v4;
	v4 =	vand.u32 $0x7F, v12;
	v12 =	vld.idx.msk [tilespmem:v9+s11+$0x0], $0xffff;
	v7 =	vadd.f32 v7, v10;
	s31 =	smov.u32 s30  }
0x120: {  	v13 =	vld [tilespmem:s1+$0x0];
	v10 =	vor.u32 v1, v4;
	v4 =	vshrl.u32 v3, $0x10  }
.Ltmp6:
0x121: {  	v4 =	vand.u32 $0x7F, v4;
	v14 =	vadd.f32 v5, v7;
	v7 =	vld.idx.msk [tilespmem:v6+s11+$0x0], $0xffff;
	(pc) =	sbr.rel @p0 .LBB2_15-.Ltmp6, $4  }
0x122: {  	v3 =	vshrl.u32 v3, $0x18;
	v9 =	vor.u32 v1, v4  }
0x123: {  	v15 =	vand.u32 $0x7F, v3;
	v5 =	vld.idx.msk [tilespmem:v11+s11+$0x0], $0xffff;
	v14 =	vadd.f32 v8, v14  }
0x124: {  	s29 =	sadd.s32 $0x80, s29;
	v6 =	vor.u32 v1, v15  }
0x125: {  	s30 =	sadd.s32 $0x10, s30;
	s1 =	sand.u32 $0xC00, s29;
	v4 =	vshrl.u32 v13, $0x6;
	v11 =	vand.u32 $0x7F, v13;
	v8 =	vld.idx.msk [tilespmem:v10+s11+$0x0], $0xffff;
	v10 =	vadd.f32 v12, v14;
	v3 =	vmovc v13  }
0x126: {  	_ =	sdelay $0x2  }
0x127: {  	s29 =	sand.u32 $0x70, s31;
	s1 =	sadd.s32 s1, s28;
	v11 =	vor.u32 v1, v11;
	v12 =	vshrl.u32 v3, $0x8;
	v7 =	vadd.f32 v7, v10  }
0x128: {  	v9 =	vld.idx.msk [tilespmem:v9+s11+$0x0], $0xffff;
	s1 =	sadd.s32 s29, s1;
	v44 =	vand.u32 $0x7F, v12  }
0x129: {  	v46 =	vshrl.u32 v3, $0x10;
	v45 =	vld [tilespmem:s1+$0x0];
	v10 =	vor.u32 v1, v44;
	v5 =	vadd.f32 v5, v7  }
0x12a: {  	v6 =	vld.idx.msk [tilespmem:v6+s11+$0x0], $0xffff;
	v7 =	vand.u32 $0x7F, v46  }
0x12b: {  	v47 =	vshrl.u32 v3, $0x18;
	v7 =	vor.u32 v1, v7;
	v5 =	vadd.f32 v8, v5  }
0x12c: {  	v3 =	vand.u32 $0x7F, v47;
	v48 =	vld.idx.msk [tilespmem:v11+s11+$0x0], $0xffff  }
0x12d: {  	v3 =	vor.u32 v1, v3;
	v5 =	vadd.f32 v9, v5  }
0x12e: {  	v49 =	vand.u32 $0x7F, v45;
	v10 =	vld.idx.msk [tilespmem:v10+s11+$0x0], $0xffff  }
0x12f: {  	v50 =	vshrl.u32 v45, $0x8;
	v9 =	vor.u32 v1, v49;
	v5 =	vadd.f32 v6, v5  }
0x130: {  	v51 =	vand.u32 $0x7F, v50;
	v7 =	vld.idx.msk [tilespmem:v7+s11+$0x0], $0xffff  }
0x131: {  	v52 =	vshrl.u32 v45, $0x10;
	v6 =	vor.u32 v1, v51;
	v5 =	vadd.f32 v48, v5  }
0x132: {  	v3 =	vld.idx.msk [tilespmem:v3+s11+$0x0], $0xffff;
	v53 =	vand.u32 $0x7F, v52  }
0x133: {  	v54 =	vshrl.u32 v45, $0x18;
	v8 =	vor.u32 v1, v53;
	v5 =	vadd.f32 v10, v5  }
0x134: {  	v55 =	vand.u32 $0x7F, v54;
	v9 =	vld.idx.msk [tilespmem:v9+s11+$0x0], $0xffff  }
0x135: {  	v56 =	vor.u32 v1, v55;
	v5 =	vadd.f32 v7, v5  }
0x136: {  	v6 =	vld.idx.msk [tilespmem:v6+s11+$0x0], $0xffff  }
0x137: {  	v3 =	vadd.f32 v3, v5  }
0x138: {  	v57 =	vld.idx.msk [tilespmem:v8+s11+$0x0], $0xffff  }
0x139: {  	v3 =	vadd.f32 v9, v3  }
0x13a: {  	v1 =	vld.idx.msk [tilespmem:v56+s11+$0x0], $0xffff  }
0x13b: {  	v3 =	vadd.f32 v6, v3;
	_ =	sdelay $0x1  }
0x13c: {  	v3 =	vadd.f32 v57, v3;
	_ =	sdelay $0x1  }
0x13d: {  	v4 =	vand.u32 $0x1010101, v4;
	v58 =	vshrl.u32 v45, $0x6;
	v1 =	vadd.f32 v1, v3  }
0x13e: {  	v2 =	vadd.s32 v2, v4;
	v59 =	vand.u32 $0x1010101, v58  }
0x13f: {  	v2 =	vadd.s32 v2, v59;
	(xrf2) =	vadd.scan.msk.f32 $0xffff, v1  }
0x140: {  	v60 =	vand.u32 $0xFF, v2;
	v61 =	vshra.s32 v2, $0x18;
	v3 =	vshrl.u32 v2, $0x8  }
0x141: {  	v2 =	vshrl.u32 v2, $0x10;
	v3 =	vand.u32 $0xFF, v3;
	v1 =	vadd.s32 v60, v61  }
0x142: {  	v2 =	vand.u32 $0xFF, v2;
	v1 =	vadd.s32 v3, v1  }
0x143: {  	v1 =	vadd.s32 v2, v1  }
0x144: {  	(xrf0) =	vadd.scan.msk.s32 $0xffff, v1  }
0x145: {  	s26 =	sadd.s32 $0x1, s26  }
0x146: {  	p0 =	sne.s32 s26, $0x20  }
.Ltmp7:
0x147: {  	_ = 	snop;
	(pc) =	sbr.rel @p0 .LBB2_14-.Ltmp7, $4  }
0x148: {  	_ = 	snop  }
0x149: {  	v62, _, _ =	vpop (xrf2)  }
0x14a: {  	v63, _, _ =	vpop (xrf0);
	[tilespmem:v0+s21+$0x0] =	vst.idx.msk vm0, v62  }
0x14b: {  	[tilespmem:v0+s22+$0x0] =	vst.idx.msk vm0, v63  }
0x14c: {  	v0 =	vld [tilespmem:$0x10400];
	_ =	sdelay $0x4  }
0x14d: {  	v0 =	vcvt.s32.f32 v0;
	_ =	sdelay $0x1  }
0x14e: {  	v0 =	vmax.f32 v0, $1.000000000e+00  }
0x14f: {  	(erf) = vrcp.f32 v0;
	_ =	sdelay $0x4  }
0x150: {  	v35 =	vld [tilespmem:$0x10380];
	_ =	sdelay $0x1  }
0x151: {  	v1 =	vld [tilespmem:$0x10410];
	_ =	sdelay $0x1  }
0x152: {  	v2 =	vpop (erf)  }
0x153: {  	v0 =	vmul.f32 v2, v35;
	_ =	sdelay $0x1  }
0x154: {  	v1 =	vcvt.s32.f32 v1;
	v0 =	vmul.f32 $1.442695020e+00, v0;
	_ =	sdelay $0x1  }
0x155: {  	v36 =	vmax.f32 v1, $1.000000000e+00;
	(erf) = vpow2.f32 v0  }
0x156: {  	(erf) = vrcp.f32 v36;
	_ =	sdelay $0x4  }
0x157: {  	v37 =	vld [tilespmem:$0x10390];
	_ =	sdelay $0x1  }
0x158: {  	v38 =	vld [tilespmem:$0x10420]  }
0x159: {  	v39 =	vpop (erf)  }
0x15a: {  	v3 =	vpop (erf)  }
0x15b: {  	v0 =	vmul.f32 v3, v37;
	_ =	sdelay $0x1  }
0x15c: {  	v1 =	vcvt.s32.f32 v38;
	v0 =	vmul.f32 $1.442695020e+00, v0;
	_ =	sdelay $0x1  }
0x15d: {  	v40 =	vmax.f32 v1, $1.000000000e+00;
	(erf) = vpow2.f32 v0  }
0x15e: {  	(erf) = vrcp.f32 v40;
	_ =	sdelay $0x4  }
0x15f: {  	v41 =	vld [tilespmem:$0x103A0];
	_ =	sdelay $0x1  }
0x160: {  	v42 =	vld [tilespmem:$0x10430]  }
0x161: {  	v43 =	vpop (erf)  }
0x162: {  	v4 =	vpop (erf)  }
0x163: {  	v0 =	vmul.f32 v4, v41;
	_ =	sdelay $0x1  }
0x164: {  	v1 =	vcvt.s32.f32 v42;
	v0 =	vmul.f32 $1.442695020e+00, v0;
	_ =	sdelay $0x1  }
0x165: {  	v44 =	vmax.f32 v1, $1.000000000e+00;
	(erf) = vpow2.f32 v0  }
0x166: {  	(erf) = vrcp.f32 v44;
	_ =	sdelay $0x4  }
0x167: {  	v45 =	vld [tilespmem:$0x103B0];
	_ =	sdelay $0x1  }
0x168: {  	v46 =	vld [tilespmem:$0x10440]  }
0x169: {  	v47 =	vpop (erf)  }
0x16a: {  	v5 =	vpop (erf)  }
0x16b: {  	v0 =	vmul.f32 v5, v45;
	_ =	sdelay $0x1  }
0x16c: {  	v1 =	vcvt.s32.f32 v46;
	v0 =	vmul.f32 $1.442695020e+00, v0;
	_ =	sdelay $0x1  }
0x16d: {  	v48 =	vmax.f32 v1, $1.000000000e+00;
	(erf) = vpow2.f32 v0  }
0x16e: {  	(erf) = vrcp.f32 v48;
	_ =	sdelay $0x4  }
0x16f: {  	v49 =	vld [tilespmem:$0x103C0];
	_ =	sdelay $0x1  }
0x170: {  	v50 =	vld [tilespmem:$0x10450]  }
0x171: {  	v51 =	vpop (erf)  }
0x172: {  	v6 =	vpop (erf)  }
0x173: {  	v0 =	vmul.f32 v6, v49;
	_ =	sdelay $0x1  }
0x174: {  	v1 =	vcvt.s32.f32 v50;
	v0 =	vmul.f32 $1.442695020e+00, v0;
	_ =	sdelay $0x1  }
0x175: {  	v52 =	vmax.f32 v1, $1.000000000e+00;
	(erf) = vpow2.f32 v0  }
0x176: {  	(erf) = vrcp.f32 v52;
	_ =	sdelay $0x4  }
0x177: {  	v53 =	vld [tilespmem:$0x103D0];
	_ =	sdelay $0x1  }
0x178: {  	v54 =	vld [tilespmem:$0x10460]  }
0x179: {  	v55 =	vpop (erf)  }
0x17a: {  	v7 =	vpop (erf)  }
0x17b: {  	v0 =	vmul.f32 v7, v53;
	_ =	sdelay $0x1  }
0x17c: {  	v1 =	vcvt.s32.f32 v54;
	v0 =	vmul.f32 $1.442695020e+00, v0;
	_ =	sdelay $0x1  }
0x17d: {  	v56 =	vmax.f32 v1, $1.000000000e+00;
	(erf) = vpow2.f32 v0  }
0x17e: {  	(erf) = vrcp.f32 v56;
	_ =	sdelay $0x4  }
0x17f: {  	v57 =	vld [tilespmem:$0x103E0];
	_ =	sdelay $0x1  }
0x180: {  	v58 =	vld [tilespmem:$0x10470]  }
0x181: {  	v59 =	vpop (erf)  }
0x182: {  	v8 =	vpop (erf)  }
0x183: {  	v0 =	vmul.f32 v8, v57;
	_ =	sdelay $0x1  }
0x184: {  	v1 =	vcvt.s32.f32 v58;
	v0 =	vmul.f32 $1.442695020e+00, v0;
	_ =	sdelay $0x1  }
0x185: {  	v60 =	vmax.f32 v1, $1.000000000e+00;
	(erf) = vpow2.f32 v0  }
0x186: {  	(erf) = vrcp.f32 v60;
	_ =	sdelay $0x4  }
0x187: {  	v61 =	vld [tilespmem:$0x103F0];
	_ =	sdelay $0x2  }
0x188: {  	v62 =	vpop (erf)  }
0x189: {  	v63 =	vpop (erf)  }
0x18a: {  	v0 =	vmul.f32 v63, v61;
	_ =	sdelay $0x1  }
0x18b: {  	v0 =	vmul.f32 $1.442695020e+00, v0;
	_ =	sdelay $0x1  }
0x18c: {  	(erf) = vpow2.f32 v0;
	_ =	sdelay $0x2  }
0x18d: {  	[tilespmem:$0x10300] =	vst v39  }
0x18e: {  	[tilespmem:$0x10310] =	vst v43  }
0x18f: {  	[tilespmem:$0x10320] =	vst v47  }
0x190: {  	[tilespmem:$0x10330] =	vst v51  }
0x191: {  	[tilespmem:$0x10340] =	vst v55  }
0x192: {  	s24 =	sadd.s32 $0x1, s24;
	[tilespmem:$0x10350] =	vst v59  }
0x193: {  	p0 =	sne.s32 s24, s10;
	[tilespmem:$0x10360] =	vst v62;
	v0 =	vpop (erf)  }
.Ltmp8:
0x194: {  	[tilespmem:$0x10370] =	vst v0;
	(pc) =	sbr.rel @p0 .LBB2_1-.Ltmp8, $4  }
0x195: {  	[hbm4b:s9+s2] =	stream.linear.scatter [tilespmem:s23], [sflag:$0x5], $0x80, $0x38;
	[tilespmem:$0x10480] =	vst v63  }
0x196: {  	_ =	swait.ge [sflag:s12], $0x80  }
0x197: {  	[sflag:s12] =	ssyncset.done $0x0  }
0x198: {  	[sflag:s12] =	ssyncadd.s32 $0xFFFFFF80  }
0x199: {  	_ =	sfence.sel $0x180000  }
0x19a: {  	[bflag:$0x0] =	sbarrier.arrive $0xFFFF  }
0x19b: {  	_ =	strace $0x90000047  }
0x19c: {  	[bflag:$0x2] =	sbarrier.arrive $0xFFFF  }
0x19d: {  	p0 =	sne.s32 s0, $0x0;
	s0 =	rddreg [dreg:$0x3]  }
0x19e: {  	s0 =	sadd.s32 @!p0 $0x100000, s0  }
0x19f: {  	[sflag:s0] =	ssyncadd.tile.s32 @!p0 $0x1;
	_ =	shalt  }
.Lfunc_end2:
_tile_overlayer_lowered:
.L_overlay_start_2:
0x1a0: {  	(tag) =	ssettag $0x2  }
0x1a1: {  	s0 =	rddreg [dreg:$0x0];
	s2 =	stileid.u32  }
0x1a2: {  	s1 =	rddreg [dreg:$0x1];
	p0 =	sne.s32 s2, $0x0  }
0x1a3: {  	s3 =	rddreg [dreg:$0x2];
	[bflag:$0x3] =	sbarrier.arrive $0xFFFF;
	s2 =	simm.s32 @!p0 $0x1C05  }
0x1a4: {  	[timem:s3], [sflag:s2] =	dma.local @!p0 [hbm:s0], s1  }
0x1a5: {  	s0 =	simm.s32 @!p0 $0x5  }
0x1a6: {  	_ =	swait.ge @!p0 [sflag:s0], s1  }
0x1a7: {  	s1 =	ssub.s32 @!p0 $0x0, s1;
	[sflag:s0] =	ssyncset.done @!p0 $0x0  }
0x1a8: {  	[sflag:s0] =	ssyncadd.s32 @!p0 s1  }
0x1a9: {  	[bflag:$0x3] =	sbarrier.arrive $0xFFFF  }
0x1aa: {  	_ =	shalt  }

</sc_bundles>
